<compile_context>
chip_gen: v7x
topology: tpu7x:2x2x1
jax: 0.10.2.dev20260603
libtpu: 0.0.44.dev20260713+nightly
codegen_flags: <defaults>
</compile_context>

<pallas_src>
import functools

import jax
import jax.numpy as jnp
from jax import lax
from jax.experimental import pallas as pl
from jax.experimental.pallas import tpu as pltpu
from jax.experimental.pallas import tpu_sc as plsc

N, B, F_IN, H, C = 512, 16, 16, 64, 3
NC, NS = 2, 16
NW = NC * NS
RPW = N // NW
CHUNK = 8072
TRIL = N * (N + 1) // 2


def _sc_build_wlow(trilp):
    mesh = plsc.VectorSubcoreMesh(core_axis_name="c", subcore_axis_name="s")

    @functools.partial(
        pl.kernel,
        out_type=jax.ShapeDtypeStruct((N, N), jnp.float32),
        mesh=mesh,
        scratch_types=[
            pltpu.VMEM((CHUNK,), jnp.float32),
            pltpu.VMEM((RPW, N), jnp.float32),
        ],
    )
    def k(tril_hbm, out_hbm, buf, rows):
        wid = lax.axis_index("c") * NS + lax.axis_index("s")
        r0 = wid * RPW
        s0 = pl.multiple_of((r0 * (r0 + 1)) // 2, 8)
        pltpu.sync_copy(tril_hbm.at[pl.ds(s0, CHUNK)], buf)

        def row_body(il, carry):
            i = r0 + il
            lo = (i * (i + 1)) // 2 - s0
            for cblk in range(N // 16):
                col0 = cblk * 16
                rows[il, pl.ds(col0, 16)] = buf[pl.ds(lo + col0, 16)]
            return carry

        lax.fori_loop(0, RPW, row_body, 0)
        pltpu.sync_copy(rows, out_hbm.at[pl.ds(r0, RPW)])

    return k(trilp)


def _tc_body(wl_ref, xt_ref, cw_ref, lw_ref, lb_ref, cb_ref, fw_ref, fb_ref,
             out_ref):
    cw = cw_ref[...][0]
    rows_i = lax.broadcasted_iota(jnp.int32, (N, N), 0)
    cols_i = lax.broadcasted_iota(jnp.int32, (N, N), 1)
    Wl = jnp.where(cols_i <= rows_i, wl_ref[...], 0.0)
    d = jnp.sum(jnp.where(rows_i == cols_i, Wl, 0.0), axis=1)
    aW = jnp.abs(Wl)
    deg = jnp.sum(aW, axis=1) + jnp.sum(aW, axis=0) - jnp.abs(d) + 1.0
    r = lax.rsqrt(deg)
    r = r * (1.5 - 0.5 * deg * r * r)
    dis = jnp.where(deg > 0, r, 0.0)
    dis2 = dis * dis

    def aop(v):
        s = dis * v
        w = (jnp.sum(Wl * s[None, :], axis=1)
             + jnp.sum(Wl * s[:, None], axis=0) - d * s)
        return dis * w + dis2 * v

    u = aop(aop(cw))
    y = jnp.sum(xt_ref[...] * u[None, None, :], axis=2)
    S = jnp.sum(cw)
    pre = (jnp.dot(y, lw_ref[...], preferred_element_type=jnp.float32)
           + lb_ref[...] * S + cb_ref[0, 0])
    h = jnp.maximum(pre, 0.0)
    out_ref[...] = (jnp.dot(h, fw_ref[...], preferred_element_type=jnp.float32)
                    + fb_ref[...])


def kernel(x, edge_weight_tril, lin_w, lin_b, conv2_w, conv2_b, fc_w, fc_b):
    wlow = _sc_build_wlow(edge_weight_tril)
    xt = jnp.transpose(x, (0, 2, 1))
    return pl.pallas_call(
        _tc_body,
        out_shape=jax.ShapeDtypeStruct((B, C), jnp.float32),
    )(wlow, xt, conv2_w.reshape(1, N), lin_w, lin_b.reshape(1, H),
      jnp.reshape(conv2_b, (1, 1)), fc_w, fc_b.reshape(1, C))

# --- scband reference (transcript-rebuilt; emitter-appended) ---
"""Pipeline reference for scband-dgcnn-19146964205900 (READ-ONLY COPY).

The authoritative reference and input builder live on the scoring server;
editing this copy changes nothing except your own understanding.
"""

import jax, jax.numpy as jnp
import numpy as np

B, N, F_IN, H, C, K = 16, 512, 16, 64, 3, 2

_xs, _ys = np.tril_indices(N)
_ii, _jj = np.meshgrid(np.arange(N), np.arange(N), indexing='ij')
# fully connected edge_index (row-major, matching edge_weight.reshape(-1)) plus appended self loops
SRC = jnp.asarray(np.concatenate([_ii.reshape(-1), np.arange(N)]).astype(np.int32))
DST = jnp.asarray(np.concatenate([_jj.reshape(-1), np.arange(N)]).astype(np.int32))
XS = jnp.asarray(_xs.astype(np.int32))
YS = jnp.asarray(_ys.astype(np.int32))


def setup_inputs(seed: int = 0):
    key = jax.random.key(seed)
    ks = jax.random.split(key, 8)
    x = jax.random.normal(ks[0], (B, N, F_IN), dtype=jnp.float32)
    edge_weight_tril = jax.random.normal(ks[1], (N * (N + 1) // 2,), dtype=jnp.float32) * 0.1
    lin_w = jax.random.normal(ks[2], (F_IN, H), dtype=jnp.float32) / np.sqrt(F_IN)
    lin_b = jnp.zeros((H,), dtype=jnp.float32)
    conv2_w = jax.random.normal(ks[3], (N,), dtype=jnp.float32) / np.sqrt(N)
    conv2_b = jnp.zeros((), dtype=jnp.float32)
    fc_w = jax.random.normal(ks[4], (H, C), dtype=jnp.float32) / np.sqrt(H)
    fc_b = jnp.zeros((C,), dtype=jnp.float32)
    return dict(x=x, edge_weight_tril=edge_weight_tril, lin_w=lin_w, lin_b=lin_b,
                conv2_w=conv2_w, conv2_b=conv2_b, fc_w=fc_w, fc_b=fc_b)


def reference(x, edge_weight_tril, lin_w, lin_b, conv2_w, conv2_b, fc_w, fc_b):
    # reconstruct symmetric learned adjacency from lower-triangular parameters
    W = jnp.zeros((N, N), dtype=x.dtype).at[XS, YS].set(edge_weight_tril)
    W = W + W.T - jnp.diag(jnp.diag(W))
    ew = jnp.concatenate([W.reshape(-1), jnp.ones((N,), dtype=x.dtype)])  # self loops, fill=1
    # NewSGConv norm: deg over abs(edge_weight)
    deg = jax.ops.segment_sum(jnp.abs(ew), SRC, num_segments=N)
    dis = jnp.where(deg > 0, deg ** -0.5, 0.0)
    norm = dis[SRC] * ew * dis[DST]

    def prop(xg):
        for _ in range(K):
            msg = norm[:, None] * jnp.take(xg, SRC, axis=0)
            xg = jax.ops.segment_sum(msg, DST, num_segments=N)
        return xg

    h = jax.vmap(prop)(x)                              # [B, N, F_IN]
    h = h @ lin_w + lin_b                              # SGConv linear -> [B, N, H]
    h = jnp.einsum('n,bnh->bh', conv2_w, h) + conv2_b  # Conv1d(N, 1, 1)
    h = jax.nn.relu(h)
    # dropout is identity at inference
    return h @ fc_w + fc_b                             # [B, C]

if __name__ == "__main__":
    import jax
    _d = setup_inputs()
    print(jax.jit(kernel)(*tuple(_d.values())))

</pallas_src>

<mosaic_0001>
#map = affine_map<(d0, d1) -> (0)>
#map1 = affine_map<(d0, d1) -> (0, 0)>
module attributes {stable_mosaic.version = 14 : i64} {
  func.func @k(%arg0: i32, %arg1: i32, %arg2: memref<131328xf32, #tpu.memory_space<hbm>>, %arg3: memref<512x512xf32, #tpu.memory_space<hbm>>, %arg4: memref<8072xf32, #tpu.memory_space<vmem>>, %arg5: memref<16x512xf32, #tpu.memory_space<vmem>>) attributes {dimension_semantics = [#tpu.dimension_semantics<core_parallel>, #tpu.dimension_semantics<subcore_parallel>], iteration_bounds = array<i64: 2, 16>, scalar_prefetch = 0 : i64, scratch_operands = 2 : i64, tpu.core_type = #tpu.core_type<sc_vector_subcore>, window_params = [{transform_indices = #map}, {transform_indices = #map1}]} {
    %mul3A = arith.constant 16 : i32
    %mul3A_0 = arith.muli %arg0, %mul3A : i32
    %add3A = arith.addi %mul3A_0, %arg1 : i32
    %mul3A_1 = arith.constant 16 : i32
    %mul3A_2 = arith.muli %add3A, %mul3A_1 : i32
    %add3A_3 = arith.constant 1 : i32
    %add3A_4 = arith.addi %mul3A_2, %add3A_3 : i32
    %mul3A_5 = arith.muli %mul3A_2, %add3A_4 : i32
    %jit3A = arith.constant 2 : i32
    %div3A = arith.divsi %mul3A_5, %jit3A : i32
    %sign3A = arith.constant 0 : i32
    %sign3A_6 = arith.cmpi sgt, %mul3A_5, %sign3A : i32
    %sign3A_7 = arith.extui %sign3A_6 : i1 to i32
    %sign3A_8 = arith.constant 0 : i32
    %sign3A_9 = arith.cmpi slt, %mul3A_5, %sign3A_8 : i32
    %sign3A_10 = arith.extui %sign3A_9 : i1 to i32
    %sign3A_11 = arith.subi %sign3A_7, %sign3A_10 : i32
    %sign3A_12 = arith.constant 0 : i32
    %sign3A_13 = arith.cmpi sgt, %jit3A, %sign3A_12 : i32
    %sign3A_14 = arith.extui %sign3A_13 : i1 to i32
    %sign3A_15 = arith.constant 0 : i32
    %sign3A_16 = arith.cmpi slt, %jit3A, %sign3A_15 : i32
    %sign3A_17 = arith.extui %sign3A_16 : i1 to i32
    %sign3A_18 = arith.subi %sign3A_14, %sign3A_17 : i32
    %ne3A = arith.cmpi ne, %sign3A_11, %sign3A_18 : i32
    %rem3A = arith.remsi %mul3A_5, %jit3A : i32
    %ne3A_19 = arith.constant 0 : i32
    %ne3A_20 = arith.cmpi ne, %rem3A, %ne3A_19 : i32
    %and3A = arith.andi %ne3A, %ne3A_20 : i1
    %sub3A = arith.constant 1 : i32
    %sub3A_21 = arith.subi %div3A, %sub3A : i32
    %select_n3A = arith.select %and3A, %sub3A_21, %div3A : i32
    %multiple_of3A = tpu.assume_multiple %select_n3A, 8 : i32
    "tpu.region"() ({
      %run_scoped3A = tpu.sem_alloc : memref<!tpu.dma_semaphore, #tpu.memory_space<semaphore_mem>>
      %dma_start3A = tpu.memref_slice %arg2[%multiple_of3A] : memref<131328xf32, #tpu.memory_space<hbm>> -> memref<8072xf32, #tpu.memory_space<hbm>>
      %dma_start3A_27 = tpu.memref_slice %arg2[%multiple_of3A] : memref<131328xf32, #tpu.memory_space<hbm>> -> memref<8072xf32, #tpu.memory_space<hbm>>
      tpu.enqueue_dma source(%dma_start3A_27 : memref<8072xf32, #tpu.memory_space<hbm>>) target(%arg4 : memref<8072xf32, #tpu.memory_space<vmem>>) target_semaphore(%run_scoped3A : memref<!tpu.dma_semaphore, #tpu.memory_space<semaphore_mem>>)
      %dma_wait3A = tpu.memref_slice %arg2[%multiple_of3A] : memref<131328xf32, #tpu.memory_space<hbm>> -> memref<8072xf32, #tpu.memory_space<hbm>>
      %dma_wait3A_28 = tpu.memref_slice %arg2[%multiple_of3A] : memref<131328xf32, #tpu.memory_space<hbm>> -> memref<8072xf32, #tpu.memory_space<hbm>>
      tpu.wait_dma2 semaphore(%run_scoped3A : memref<!tpu.dma_semaphore, #tpu.memory_space<semaphore_mem>>) src(%dma_wait3A_28 : memref<8072xf32, #tpu.memory_space<hbm>>) dst(%arg4 : memref<8072xf32, #tpu.memory_space<vmem>>)
      tpu.yield
    }) : () -> ()
    %scan3A = arith.constant 0 : i32
    %scan3A_22 = arith.constant 0 : i32
    %scan3A_23 = arith.constant 16 : i32
    %scan3A_24 = arith.addi %scan3A_22, %scan3A_23 : i32
    %scan3A_25 = arith.constant 1 : i32
    scf.for %scan3A_27 = %scan3A_22 to %scan3A_24 step %scan3A_25  : i32 {
      %add3A_28 = arith.addi %mul3A_2, %scan3A_27 : i32
      %add3A_29 = arith.constant 1 : i32
      %add3A_30 = arith.addi %add3A_28, %add3A_29 : i32
      %mul3A_31 = arith.muli %add3A_28, %add3A_30 : i32
      %jit3A_32 = arith.constant 2 : i32
      %div3A_33 = arith.divsi %mul3A_31, %jit3A_32 : i32
      %sign3A_34 = arith.constant 0 : i32
      %sign3A_35 = arith.cmpi sgt, %mul3A_31, %sign3A_34 : i32
      %sign3A_36 = arith.extui %sign3A_35 : i1 to i32
      %sign3A_37 = arith.constant 0 : i32
      %sign3A_38 = arith.cmpi slt, %mul3A_31, %sign3A_37 : i32
      %sign3A_39 = arith.extui %sign3A_38 : i1 to i32
      %sign3A_40 = arith.subi %sign3A_36, %sign3A_39 : i32
      %sign3A_41 = arith.constant 0 : i32
      %sign3A_42 = arith.cmpi sgt, %jit3A_32, %sign3A_41 : i32
      %sign3A_43 = arith.extui %sign3A_42 : i1 to i32
      %sign3A_44 = arith.constant 0 : i32
      %sign3A_45 = arith.cmpi slt, %jit3A_32, %sign3A_44 : i32
      %sign3A_46 = arith.extui %sign3A_45 : i1 to i32
      %sign3A_47 = arith.subi %sign3A_43, %sign3A_46 : i32
      %ne3A_48 = arith.cmpi ne, %sign3A_40, %sign3A_47 : i32
      %rem3A_49 = arith.remsi %mul3A_31, %jit3A_32 : i32
      %ne3A_50 = arith.constant 0 : i32
      %ne3A_51 = arith.cmpi ne, %rem3A_49, %ne3A_50 : i32
      %and3A_52 = arith.andi %ne3A_48, %ne3A_51 : i1
      %sub3A_53 = arith.constant 1 : i32
      %sub3A_54 = arith.subi %div3A_33, %sub3A_53 : i32
      %select_n3A_55 = arith.select %and3A_52, %sub3A_54, %div3A_33 : i32
      %sub3A_56 = arith.subi %select_n3A_55, %multiple_of3A : i32
      %add3A_57 = arith.constant 0 : i32
      %add3A_58 = arith.addi %sub3A_56, %add3A_57 : i32
      %get3A = arith.index_cast %add3A_58 : i32 to index
      %get3A_59 = tpu.vector_load %arg4[%get3A] {strides = array<i32>} : memref<8072xf32, #tpu.memory_space<vmem>>, vector<16xf32>,
      %get3A_60 = vector.shape_cast %get3A_59 : vector<16xf32> to vector<16xf32>
      %swap3A = arith.index_cast %scan3A_27 : i32 to index
      %swap3A_61 = arith.constant 0 : index
      %swap3A_62 = tpu.vector_load %arg5[%swap3A, %swap3A_61] {strides = array<i32>} : memref<16x512xf32, #tpu.memory_space<vmem>>, vector<1x16xf32>,
      %swap3A_63 = vector.shape_cast %swap3A_62 : vector<1x16xf32> to vector<16xf32>
      %swap3A_64 = vector.shape_cast %get3A_60 : vector<16xf32> to vector<1x16xf32>
      tpu.vector_store %arg5[%swap3A, %swap3A_61], %swap3A_64 {strides = array<i32>} : memref<16x512xf32, #tpu.memory_space<vmem>>, vector<1x16xf32>,
      %add3A_65 = arith.constant 16 : i32
      %add3A_66 = arith.addi %sub3A_56, %add3A_65 : i32
      %get3A_67 = arith.index_cast %add3A_66 : i32 to index
      %get3A_68 = tpu.vector_load %arg4[%get3A_67] {strides = array<i32>} : memref<8072xf32, #tpu.memory_space<vmem>>, vector<16xf32>,
      %get3A_69 = vector.shape_cast %get3A_68 : vector<16xf32> to vector<16xf32>
      %swap3A_70 = arith.index_cast %scan3A_27 : i32 to index
      %swap3A_71 = arith.constant 16 : index
      %swap3A_72 = tpu.vector_load %arg5[%swap3A_70, %swap3A_71] {strides = array<i32>} : memref<16x512xf32, #tpu.memory_space<vmem>>, vector<1x16xf32>,
      %swap3A_73 = vector.shape_cast %swap3A_72 : vector<1x16xf32> to vector<16xf32>
      %swap3A_74 = vector.shape_cast %get3A_69 : vector<16xf32> to vector<1x16xf32>
      tpu.vector_store %arg5[%swap3A_70, %swap3A_71], %swap3A_74 {strides = array<i32>} : memref<16x512xf32, #tpu.memory_space<vmem>>, vector<1x16xf32>,
      %add3A_75 = arith.constant 32 : i32
      %add3A_76 = arith.addi %sub3A_56, %add3A_75 : i32
      %get3A_77 = arith.index_cast %add3A_76 : i32 to index
      %get3A_78 = tpu.vector_load %arg4[%get3A_77] {strides = array<i32>} : memref<8072xf32, #tpu.memory_space<vmem>>, vector<16xf32>,
      %get3A_79 = vector.shape_cast %get3A_78 : vector<16xf32> to vector<16xf32>
      %swap3A_80 = arith.index_cast %scan3A_27 : i32 to index
      %swap3A_81 = arith.constant 32 : index
      %swap3A_82 = tpu.vector_load %arg5[%swap3A_80, %swap3A_81] {strides = array<i32>} : memref<16x512xf32, #tpu.memory_space<vmem>>, vector<1x16xf32>,
      %swap3A_83 = vector.shape_cast %swap3A_82 : vector<1x16xf32> to vector<16xf32>
      %swap3A_84 = vector.shape_cast %get3A_79 : vector<16xf32> to vector<1x16xf32>
      tpu.vector_store %arg5[%swap3A_80, %swap3A_81], %swap3A_84 {strides = array<i32>} : memref<16x512xf32, #tpu.memory_space<vmem>>, vector<1x16xf32>,
      %add3A_85 = arith.constant 48 : i32
      %add3A_86 = arith.addi %sub3A_56, %add3A_85 : i32
      %get3A_87 = arith.index_cast %add3A_86 : i32 to index
      %get3A_88 = tpu.vector_load %arg4[%get3A_87] {strides = array<i32>} : memref<8072xf32, #tpu.memory_space<vmem>>, vector<16xf32>,
      %get3A_89 = vector.shape_cast %get3A_88 : vector<16xf32> to vector<16xf32>
      %swap3A_90 = arith.index_cast %scan3A_27 : i32 to index
      %swap3A_91 = arith.constant 48 : index
      %swap3A_92 = tpu.vector_load %arg5[%swap3A_90, %swap3A_91] {strides = array<i32>} : memref<16x512xf32, #tpu.memory_space<vmem>>, vector<1x16xf32>,
      %swap3A_93 = vector.shape_cast %swap3A_92 : vector<1x16xf32> to vector<16xf32>
      %swap3A_94 = vector.shape_cast %get3A_89 : vector<16xf32> to vector<1x16xf32>
      tpu.vector_store %arg5[%swap3A_90, %swap3A_91], %swap3A_94 {strides = array<i32>} : memref<16x512xf32, #tpu.memory_space<vmem>>, vector<1x16xf32>,
      %add3A_95 = arith.constant 64 : i32
      %add3A_96 = arith.addi %sub3A_56, %add3A_95 : i32
      %get3A_97 = arith.index_cast %add3A_96 : i32 to index
      %get3A_98 = tpu.vector_load %arg4[%get3A_97] {strides = array<i32>} : memref<8072xf32, #tpu.memory_space<vmem>>, vector<16xf32>,
      %get3A_99 = vector.shape_cast %get3A_98 : vector<16xf32> to vector<16xf32>
      %swap3A_100 = arith.index_cast %scan3A_27 : i32 to index
      %swap3A_101 = arith.constant 64 : index
      %swap3A_102 = tpu.vector_load %arg5[%swap3A_100, %swap3A_101] {strides = array<i32>} : memref<16x512xf32, #tpu.memory_space<vmem>>, vector<1x16xf32>,
      %swap3A_103 = vector.shape_cast %swap3A_102 : vector<1x16xf32> to vector<16xf32>
      %swap3A_104 = vector.shape_cast %get3A_99 : vector<16xf32> to vector<1x16xf32>
      tpu.vector_store %arg5[%swap3A_100, %swap3A_101], %swap3A_104 {strides = array<i32>} : memref<16x512xf32, #tpu.memory_space<vmem>>, vector<1x16xf32>,
      %add3A_105 = arith.constant 80 : i32
      %add3A_106 = arith.addi %sub3A_56, %add3A_105 : i32
      %get3A_107 = arith.index_cast %add3A_106 : i32 to index
      %get3A_108 = tpu.vector_load %arg4[%get3A_107] {strides = array<i32>} : memref<8072xf32, #tpu.memory_space<vmem>>, vector<16xf32>,
      %get3A_109 = vector.shape_cast %get3A_108 : vector<16xf32> to vector<16xf32>
      %swap3A_110 = arith.index_cast %scan3A_27 : i32 to index
      %swap3A_111 = arith.constant 80 : index
      %swap3A_112 = tpu.vector_load %arg5[%swap3A_110, %swap3A_111] {strides = array<i32>} : memref<16x512xf32, #tpu.memory_space<vmem>>, vector<1x16xf32>,
      %swap3A_113 = vector.shape_cast %swap3A_112 : vector<1x16xf32> to vector<16xf32>
      %swap3A_114 = vector.shape_cast %get3A_109 : vector<16xf32> to vector<1x16xf32>
      tpu.vector_store %arg5[%swap3A_110, %swap3A_111], %swap3A_114 {strides = array<i32>} : memref<16x512xf32, #tpu.memory_space<vmem>>, vector<1x16xf32>,
      %add3A_115 = arith.constant 96 : i32
      %add3A_116 = arith.addi %sub3A_56, %add3A_115 : i32
      %get3A_117 = arith.index_cast %add3A_116 : i32 to index
      %get3A_118 = tpu.vector_load %arg4[%get3A_117] {strides = array<i32>} : memref<8072xf32, #tpu.memory_space<vmem>>, vector<16xf32>,
      %get3A_119 = vector.shape_cast %get3A_118 : vector<16xf32> to vector<16xf32>
      %swap3A_120 = arith.index_cast %scan3A_27 : i32 to index
      %swap3A_121 = arith.constant 96 : index
      %swap3A_122 = tpu.vector_load %arg5[%swap3A_120, %swap3A_121] {strides = array<i32>} : memref<16x512xf32, #tpu.memory_space<vmem>>, vector<1x16xf32>,
      %swap3A_123 = vector.shape_cast %swap3A_122 : vector<1x16xf32> to vector<16xf32>
      %swap3A_124 = vector.shape_cast %get3A_119 : vector<16xf32> to vector<1x16xf32>
      tpu.vector_store %arg5[%swap3A_120, %swap3A_121], %swap3A_124 {strides = array<i32>} : memref<16x512xf32, #tpu.memory_space<vmem>>, vector<1x16xf32>,
      %add3A_125 = arith.constant 112 : i32
      %add3A_126 = arith.addi %sub3A_56, %add3A_125 : i32
      %get3A_127 = arith.index_cast %add3A_126 : i32 to index
      %get3A_128 = tpu.vector_load %arg4[%get3A_127] {strides = array<i32>} : memref<8072xf32, #tpu.memory_space<vmem>>, vector<16xf32>,
      %get3A_129 = vector.shape_cast %get3A_128 : vector<16xf32> to vector<16xf32>
      %swap3A_130 = arith.index_cast %scan3A_27 : i32 to index
      %swap3A_131 = arith.constant 112 : index
      %swap3A_132 = tpu.vector_load %arg5[%swap3A_130, %swap3A_131] {strides = array<i32>} : memref<16x512xf32, #tpu.memory_space<vmem>>, vector<1x16xf32>,
      %swap3A_133 = vector.shape_cast %swap3A_132 : vector<1x16xf32> to vector<16xf32>
      %swap3A_134 = vector.shape_cast %get3A_129 : vector<16xf32> to vector<1x16xf32>
      tpu.vector_store %arg5[%swap3A_130, %swap3A_131], %swap3A_134 {strides = array<i32>} : memref<16x512xf32, #tpu.memory_space<vmem>>, vector<1x16xf32>,
      %add3A_135 = arith.constant 128 : i32
      %add3A_136 = arith.addi %sub3A_56, %add3A_135 : i32
      %get3A_137 = arith.index_cast %add3A_136 : i32 to index
      %get3A_138 = tpu.vector_load %arg4[%get3A_137] {strides = array<i32>} : memref<8072xf32, #tpu.memory_space<vmem>>, vector<16xf32>,
      %get3A_139 = vector.shape_cast %get3A_138 : vector<16xf32> to vector<16xf32>
      %swap3A_140 = arith.index_cast %scan3A_27 : i32 to index
      %swap3A_141 = arith.constant 128 : index
      %swap3A_142 = tpu.vector_load %arg5[%swap3A_140, %swap3A_141] {strides = array<i32>} : memref<16x512xf32, #tpu.memory_space<vmem>>, vector<1x16xf32>,
      %swap3A_143 = vector.shape_cast %swap3A_142 : vector<1x16xf32> to vector<16xf32>
      %swap3A_144 = vector.shape_cast %get3A_139 : vector<16xf32> to vector<1x16xf32>
      tpu.vector_store %arg5[%swap3A_140, %swap3A_141], %swap3A_144 {strides = array<i32>} : memref<16x512xf32, #tpu.memory_space<vmem>>, vector<1x16xf32>,
      %add3A_145 = arith.constant 144 : i32
      %add3A_146 = arith.addi %sub3A_56, %add3A_145 : i32
      %get3A_147 = arith.index_cast %add3A_146 : i32 to index
      %get3A_148 = tpu.vector_load %arg4[%get3A_147] {strides = array<i32>} : memref<8072xf32, #tpu.memory_space<vmem>>, vector<16xf32>,
      %get3A_149 = vector.shape_cast %get3A_148 : vector<16xf32> to vector<16xf32>
      %swap3A_150 = arith.index_cast %scan3A_27 : i32 to index
      %swap3A_151 = arith.constant 144 : index
      %swap3A_152 = tpu.vector_load %arg5[%swap3A_150, %swap3A_151] {strides = array<i32>} : memref<16x512xf32, #tpu.memory_space<vmem>>, vector<1x16xf32>,
      %swap3A_153 = vector.shape_cast %swap3A_152 : vector<1x16xf32> to vector<16xf32>
      %swap3A_154 = vector.shape_cast %get3A_149 : vector<16xf32> to vector<1x16xf32>
      tpu.vector_store %arg5[%swap3A_150, %swap3A_151], %swap3A_154 {strides = array<i32>} : memref<16x512xf32, #tpu.memory_space<vmem>>, vector<1x16xf32>,
      %add3A_155 = arith.constant 160 : i32
      %add3A_156 = arith.addi %sub3A_56, %add3A_155 : i32
      %get3A_157 = arith.index_cast %add3A_156 : i32 to index
      %get3A_158 = tpu.vector_load %arg4[%get3A_157] {strides = array<i32>} : memref<8072xf32, #tpu.memory_space<vmem>>, vector<16xf32>,
      %get3A_159 = vector.shape_cast %get3A_158 : vector<16xf32> to vector<16xf32>
      %swap3A_160 = arith.index_cast %scan3A_27 : i32 to index
      %swap3A_161 = arith.constant 160 : index
      %swap3A_162 = tpu.vector_load %arg5[%swap3A_160, %swap3A_161] {strides = array<i32>} : memref<16x512xf32, #tpu.memory_space<vmem>>, vector<1x16xf32>,
      %swap3A_163 = vector.shape_cast %swap3A_162 : vector<1x16xf32> to vector<16xf32>
      %swap3A_164 = vector.shape_cast %get3A_159 : vector<16xf32> to vector<1x16xf32>
      tpu.vector_store %arg5[%swap3A_160, %swap3A_161], %swap3A_164 {strides = array<i32>} : memref<16x512xf32, #tpu.memory_space<vmem>>, vector<1x16xf32>,
      %add3A_165 = arith.constant 176 : i32
      %add3A_166 = arith.addi %sub3A_56, %add3A_165 : i32
      %get3A_167 = arith.index_cast %add3A_166 : i32 to index
      %get3A_168 = tpu.vector_load %arg4[%get3A_167] {strides = array<i32>} : memref<8072xf32, #tpu.memory_space<vmem>>, vector<16xf32>,
      %get3A_169 = vector.shape_cast %get3A_168 : vector<16xf32> to vector<16xf32>
      %swap3A_170 = arith.index_cast %scan3A_27 : i32 to index
      %swap3A_171 = arith.constant 176 : index
      %swap3A_172 = tpu.vector_load %arg5[%swap3A_170, %swap3A_171] {strides = array<i32>} : memref<16x512xf32, #tpu.memory_space<vmem>>, vector<1x16xf32>,
      %swap3A_173 = vector.shape_cast %swap3A_172 : vector<1x16xf32> to vector<16xf32>
      %swap3A_174 = vector.shape_cast %get3A_169 : vector<16xf32> to vector<1x16xf32>
      tpu.vector_store %arg5[%swap3A_170, %swap3A_171], %swap3A_174 {strides = array<i32>} : memref<16x512xf32, #tpu.memory_space<vmem>>, vector<1x16xf32>,
      %add3A_175 = arith.constant 192 : i32
      %add3A_176 = arith.addi %sub3A_56, %add3A_175 : i32
      %get3A_177 = arith.index_cast %add3A_176 : i32 to index
      %get3A_178 = tpu.vector_load %arg4[%get3A_177] {strides = array<i32>} : memref<8072xf32, #tpu.memory_space<vmem>>, vector<16xf32>,
      %get3A_179 = vector.shape_cast %get3A_178 : vector<16xf32> to vector<16xf32>
      %swap3A_180 = arith.index_cast %scan3A_27 : i32 to index
      %swap3A_181 = arith.constant 192 : index
      %swap3A_182 = tpu.vector_load %arg5[%swap3A_180, %swap3A_181] {strides = array<i32>} : memref<16x512xf32, #tpu.memory_space<vmem>>, vector<1x16xf32>,
      %swap3A_183 = vector.shape_cast %swap3A_182 : vector<1x16xf32> to vector<16xf32>
      %swap3A_184 = vector.shape_cast %get3A_179 : vector<16xf32> to vector<1x16xf32>
      tpu.vector_store %arg5[%swap3A_180, %swap3A_181], %swap3A_184 {strides = array<i32>} : memref<16x512xf32, #tpu.memory_space<vmem>>, vector<1x16xf32>,
      %add3A_185 = arith.constant 208 : i32
      %add3A_186 = arith.addi %sub3A_56, %add3A_185 : i32
      %get3A_187 = arith.index_cast %add3A_186 : i32 to index
      %get3A_188 = tpu.vector_load %arg4[%get3A_187] {strides = array<i32>} : memref<8072xf32, #tpu.memory_space<vmem>>, vector<16xf32>,
      %get3A_189 = vector.shape_cast %get3A_188 : vector<16xf32> to vector<16xf32>
      %swap3A_190 = arith.index_cast %scan3A_27 : i32 to index
      %swap3A_191 = arith.constant 208 : index
      %swap3A_192 = tpu.vector_load %arg5[%swap3A_190, %swap3A_191] {strides = array<i32>} : memref<16x512xf32, #tpu.memory_space<vmem>>, vector<1x16xf32>,
      %swap3A_193 = vector.shape_cast %swap3A_192 : vector<1x16xf32> to vector<16xf32>
      %swap3A_194 = vector.shape_cast %get3A_189 : vector<16xf32> to vector<1x16xf32>
      tpu.vector_store %arg5[%swap3A_190, %swap3A_191], %swap3A_194 {strides = array<i32>} : memref<16x512xf32, #tpu.memory_space<vmem>>, vector<1x16xf32>,
      %add3A_195 = arith.constant 224 : i32
      %add3A_196 = arith.addi %sub3A_56, %add3A_195 : i32
      %get3A_197 = arith.index_cast %add3A_196 : i32 to index
      %get3A_198 = tpu.vector_load %arg4[%get3A_197] {strides = array<i32>} : memref<8072xf32, #tpu.memory_space<vmem>>, vector<16xf32>,
      %get3A_199 = vector.shape_cast %get3A_198 : vector<16xf32> to vector<16xf32>
      %swap3A_200 = arith.index_cast %scan3A_27 : i32 to index
      %swap3A_201 = arith.constant 224 : index
      %swap3A_202 = tpu.vector_load %arg5[%swap3A_200, %swap3A_201] {strides = array<i32>} : memref<16x512xf32, #tpu.memory_space<vmem>>, vector<1x16xf32>,
      %swap3A_203 = vector.shape_cast %swap3A_202 : vector<1x16xf32> to vector<16xf32>
      %swap3A_204 = vector.shape_cast %get3A_199 : vector<16xf32> to vector<1x16xf32>
      tpu.vector_store %arg5[%swap3A_200, %swap3A_201], %swap3A_204 {strides = array<i32>} : memref<16x512xf32, #tpu.memory_space<vmem>>, vector<1x16xf32>,
      %add3A_205 = arith.constant 240 : i32
      %add3A_206 = arith.addi %sub3A_56, %add3A_205 : i32
      %get3A_207 = arith.index_cast %add3A_206 : i32 to index
      %get3A_208 = tpu.vector_load %arg4[%get3A_207] {strides = array<i32>} : memref<8072xf32, #tpu.memory_space<vmem>>, vector<16xf32>,
      %get3A_209 = vector.shape_cast %get3A_208 : vector<16xf32> to vector<16xf32>
      %swap3A_210 = arith.index_cast %scan3A_27 : i32 to index
      %swap3A_211 = arith.constant 240 : index
      %swap3A_212 = tpu.vector_load %arg5[%swap3A_210, %swap3A_211] {strides = array<i32>} : memref<16x512xf32, #tpu.memory_space<vmem>>, vector<1x16xf32>,
      %swap3A_213 = vector.shape_cast %swap3A_212 : vector<1x16xf32> to vector<16xf32>
      %swap3A_214 = vector.shape_cast %get3A_209 : vector<16xf32> to vector<1x16xf32>
      tpu.vector_store %arg5[%swap3A_210, %swap3A_211], %swap3A_214 {strides = array<i32>} : memref<16x512xf32, #tpu.memory_space<vmem>>, vector<1x16xf32>,
      %add3A_215 = arith.constant 256 : i32
      %add3A_216 = arith.addi %sub3A_56, %add3A_215 : i32
      %get3A_217 = arith.index_cast %add3A_216 : i32 to index
      %get3A_218 = tpu.vector_load %arg4[%get3A_217] {strides = array<i32>} : memref<8072xf32, #tpu.memory_space<vmem>>, vector<16xf32>,
      %get3A_219 = vector.shape_cast %get3A_218 : vector<16xf32> to vector<16xf32>
      %swap3A_220 = arith.index_cast %scan3A_27 : i32 to index
      %swap3A_221 = arith.constant 256 : index
      %swap3A_222 = tpu.vector_load %arg5[%swap3A_220, %swap3A_221] {strides = array<i32>} : memref<16x512xf32, #tpu.memory_space<vmem>>, vector<1x16xf32>,
      %swap3A_223 = vector.shape_cast %swap3A_222 : vector<1x16xf32> to vector<16xf32>
      %swap3A_224 = vector.shape_cast %get3A_219 : vector<16xf32> to vector<1x16xf32>
      tpu.vector_store %arg5[%swap3A_220, %swap3A_221], %swap3A_224 {strides = array<i32>} : memref<16x512xf32, #tpu.memory_space<vmem>>, vector<1x16xf32>,
      %add3A_225 = arith.constant 272 : i32
      %add3A_226 = arith.addi %sub3A_56, %add3A_225 : i32
      %get3A_227 = arith.index_cast %add3A_226 : i32 to index
      %get3A_228 = tpu.vector_load %arg4[%get3A_227] {strides = array<i32>} : memref<8072xf32, #tpu.memory_space<vmem>>, vector<16xf32>,
      %get3A_229 = vector.shape_cast %get3A_228 : vector<16xf32> to vector<16xf32>
      %swap3A_230 = arith.index_cast %scan3A_27 : i32 to index
      %swap3A_231 = arith.constant 272 : index
      %swap3A_232 = tpu.vector_load %arg5[%swap3A_230, %swap3A_231] {strides = array<i32>} : memref<16x512xf32, #tpu.memory_space<vmem>>, vector<1x16xf32>,
      %swap3A_233 = vector.shape_cast %swap3A_232 : vector<1x16xf32> to vector<16xf32>
      %swap3A_234 = vector.shape_cast %get3A_229 : vector<16xf32> to vector<1x16xf32>
      tpu.vector_store %arg5[%swap3A_230, %swap3A_231], %swap3A_234 {strides = array<i32>} : memref<16x512xf32, #tpu.memory_space<vmem>>, vector<1x16xf32>,
      %add3A_235 = arith.constant 288 : i32
      %add3A_236 = arith.addi %sub3A_56, %add3A_235 : i32
      %get3A_237 = arith.index_cast %add3A_236 : i32 to index
      %get3A_238 = tpu.vector_load %arg4[%get3A_237] {strides = array<i32>} : memref<8072xf32, #tpu.memory_space<vmem>>, vector<16xf32>,
      %get3A_239 = vector.shape_cast %get3A_238 : vector<16xf32> to vector<16xf32>
      %swap3A_240 = arith.index_cast %scan3A_27 : i32 to index
      %swap3A_241 = arith.constant 288 : index
      %swap3A_242 = tpu.vector_load %arg5[%swap3A_240, %swap3A_241] {strides = array<i32>} : memref<16x512xf32, #tpu.memory_space<vmem>>, vector<1x16xf32>,
      %swap3A_243 = vector.shape_cast %swap3A_242 : vector<1x16xf32> to vector<16xf32>
      %swap3A_244 = vector.shape_cast %get3A_239 : vector<16xf32> to vector<1x16xf32>
      tpu.vector_store %arg5[%swap3A_240, %swap3A_241], %swap3A_244 {strides = array<i32>} : memref<16x512xf32, #tpu.memory_space<vmem>>, vector<1x16xf32>,
      %add3A_245 = arith.constant 304 : i32
      %add3A_246 = arith.addi %sub3A_56, %add3A_245 : i32
      %get3A_247 = arith.index_cast %add3A_246 : i32 to index
      %get3A_248 = tpu.vector_load %arg4[%get3A_247] {strides = array<i32>} : memref<8072xf32, #tpu.memory_space<vmem>>, vector<16xf32>,
      %get3A_249 = vector.shape_cast %get3A_248 : vector<16xf32> to vector<16xf32>
      %swap3A_250 = arith.index_cast %scan3A_27 : i32 to index
      %swap3A_251 = arith.constant 304 : index
      %swap3A_252 = tpu.vector_load %arg5[%swap3A_250, %swap3A_251] {strides = array<i32>} : memref<16x512xf32, #tpu.memory_space<vmem>>, vector<1x16xf32>,
      %swap3A_253 = vector.shape_cast %swap3A_252 : vector<1x16xf32> to vector<16xf32>
      %swap3A_254 = vector.shape_cast %get3A_249 : vector<16xf32> to vector<1x16xf32>
      tpu.vector_store %arg5[%swap3A_250, %swap3A_251], %swap3A_254 {strides = array<i32>} : memref<16x512xf32, #tpu.memory_space<vmem>>, vector<1x16xf32>,
      %add3A_255 = arith.constant 320 : i32
      %add3A_256 = arith.addi %sub3A_56, %add3A_255 : i32
      %get3A_257 = arith.index_cast %add3A_256 : i32 to index
      %get3A_258 = tpu.vector_load %arg4[%get3A_257] {strides = array<i32>} : memref<8072xf32, #tpu.memory_space<vmem>>, vector<16xf32>,
      %get3A_259 = vector.shape_cast %get3A_258 : vector<16xf32> to vector<16xf32>
      %swap3A_260 = arith.index_cast %scan3A_27 : i32 to index
      %swap3A_261 = arith.constant 320 : index
      %swap3A_262 = tpu.vector_load %arg5[%swap3A_260, %swap3A_261] {strides = array<i32>} : memref<16x512xf32, #tpu.memory_space<vmem>>, vector<1x16xf32>,
      %swap3A_263 = vector.shape_cast %swap3A_262 : vector<1x16xf32> to vector<16xf32>
      %swap3A_264 = vector.shape_cast %get3A_259 : vector<16xf32> to vector<1x16xf32>
      tpu.vector_store %arg5[%swap3A_260, %swap3A_261], %swap3A_264 {strides = array<i32>} : memref<16x512xf32, #tpu.memory_space<vmem>>, vector<1x16xf32>,
      %add3A_265 = arith.constant 336 : i32
      %add3A_266 = arith.addi %sub3A_56, %add3A_265 : i32
      %get3A_267 = arith.index_cast %add3A_266 : i32 to index
      %get3A_268 = tpu.vector_load %arg4[%get3A_267] {strides = array<i32>} : memref<8072xf32, #tpu.memory_space<vmem>>, vector<16xf32>,
      %get3A_269 = vector.shape_cast %get3A_268 : vector<16xf32> to vector<16xf32>
      %swap3A_270 = arith.index_cast %scan3A_27 : i32 to index
      %swap3A_271 = arith.constant 336 : index
      %swap3A_272 = tpu.vector_load %arg5[%swap3A_270, %swap3A_271] {strides = array<i32>} : memref<16x512xf32, #tpu.memory_space<vmem>>, vector<1x16xf32>,
      %swap3A_273 = vector.shape_cast %swap3A_272 : vector<1x16xf32> to vector<16xf32>
      %swap3A_274 = vector.shape_cast %get3A_269 : vector<16xf32> to vector<1x16xf32>
      tpu.vector_store %arg5[%swap3A_270, %swap3A_271], %swap3A_274 {strides = array<i32>} : memref<16x512xf32, #tpu.memory_space<vmem>>, vector<1x16xf32>,
      %add3A_275 = arith.constant 352 : i32
      %add3A_276 = arith.addi %sub3A_56, %add3A_275 : i32
      %get3A_277 = arith.index_cast %add3A_276 : i32 to index
      %get3A_278 = tpu.vector_load %arg4[%get3A_277] {strides = array<i32>} : memref<8072xf32, #tpu.memory_space<vmem>>, vector<16xf32>,
      %get3A_279 = vector.shape_cast %get3A_278 : vector<16xf32> to vector<16xf32>
      %swap3A_280 = arith.index_cast %scan3A_27 : i32 to index
      %swap3A_281 = arith.constant 352 : index
      %swap3A_282 = tpu.vector_load %arg5[%swap3A_280, %swap3A_281] {strides = array<i32>} : memref<16x512xf32, #tpu.memory_space<vmem>>, vector<1x16xf32>,
      %swap3A_283 = vector.shape_cast %swap3A_282 : vector<1x16xf32> to vector<16xf32>
      %swap3A_284 = vector.shape_cast %get3A_279 : vector<16xf32> to vector<1x16xf32>
      tpu.vector_store %arg5[%swap3A_280, %swap3A_281], %swap3A_284 {strides = array<i32>} : memref<16x512xf32, #tpu.memory_space<vmem>>, vector<1x16xf32>,
      %add3A_285 = arith.constant 368 : i32
      %add3A_286 = arith.addi %sub3A_56, %add3A_285 : i32
      %get3A_287 = arith.index_cast %add3A_286 : i32 to index
      %get3A_288 = tpu.vector_load %arg4[%get3A_287] {strides = array<i32>} : memref<8072xf32, #tpu.memory_space<vmem>>, vector<16xf32>,
      %get3A_289 = vector.shape_cast %get3A_288 : vector<16xf32> to vector<16xf32>
      %swap3A_290 = arith.index_cast %scan3A_27 : i32 to index
      %swap3A_291 = arith.constant 368 : index
      %swap3A_292 = tpu.vector_load %arg5[%swap3A_290, %swap3A_291] {strides = array<i32>} : memref<16x512xf32, #tpu.memory_space<vmem>>, vector<1x16xf32>,
      %swap3A_293 = vector.shape_cast %swap3A_292 : vector<1x16xf32> to vector<16xf32>
      %swap3A_294 = vector.shape_cast %get3A_289 : vector<16xf32> to vector<1x16xf32>
      tpu.vector_store %arg5[%swap3A_290, %swap3A_291], %swap3A_294 {strides = array<i32>} : memref<16x512xf32, #tpu.memory_space<vmem>>, vector<1x16xf32>,
      %add3A_295 = arith.constant 384 : i32
      %add3A_296 = arith.addi %sub3A_56, %add3A_295 : i32
      %get3A_297 = arith.index_cast %add3A_296 : i32 to index
      %get3A_298 = tpu.vector_load %arg4[%get3A_297] {strides = array<i32>} : memref<8072xf32, #tpu.memory_space<vmem>>, vector<16xf32>,
      %get3A_299 = vector.shape_cast %get3A_298 : vector<16xf32> to vector<16xf32>
      %swap3A_300 = arith.index_cast %scan3A_27 : i32 to index
      %swap3A_301 = arith.constant 384 : index
      %swap3A_302 = tpu.vector_load %arg5[%swap3A_300, %swap3A_301] {strides = array<i32>} : memref<16x512xf32, #tpu.memory_space<vmem>>, vector<1x16xf32>,
      %swap3A_303 = vector.shape_cast %swap3A_302 : vector<1x16xf32> to vector<16xf32>
      %swap3A_304 = vector.shape_cast %get3A_299 : vector<16xf32> to vector<1x16xf32>
      tpu.vector_store %arg5[%swap3A_300, %swap3A_301], %swap3A_304 {strides = array<i32>} : memref<16x512xf32, #tpu.memory_space<vmem>>, vector<1x16xf32>,
      %add3A_305 = arith.constant 400 : i32
      %add3A_306 = arith.addi %sub3A_56, %add3A_305 : i32
      %get3A_307 = arith.index_cast %add3A_306 : i32 to index
      %get3A_308 = tpu.vector_load %arg4[%get3A_307] {strides = array<i32>} : memref<8072xf32, #tpu.memory_space<vmem>>, vector<16xf32>,
      %get3A_309 = vector.shape_cast %get3A_308 : vector<16xf32> to vector<16xf32>
      %swap3A_310 = arith.index_cast %scan3A_27 : i32 to index
      %swap3A_311 = arith.constant 400 : index
      %swap3A_312 = tpu.vector_load %arg5[%swap3A_310, %swap3A_311] {strides = array<i32>} : memref<16x512xf32, #tpu.memory_space<vmem>>, vector<1x16xf32>,
      %swap3A_313 = vector.shape_cast %swap3A_312 : vector<1x16xf32> to vector<16xf32>
      %swap3A_314 = vector.shape_cast %get3A_309 : vector<16xf32> to vector<1x16xf32>
      tpu.vector_store %arg5[%swap3A_310, %swap3A_311], %swap3A_314 {strides = array<i32>} : memref<16x512xf32, #tpu.memory_space<vmem>>, vector<1x16xf32>,
      %add3A_315 = arith.constant 416 : i32
      %add3A_316 = arith.addi %sub3A_56, %add3A_315 : i32
      %get3A_317 = arith.index_cast %add3A_316 : i32 to index
      %get3A_318 = tpu.vector_load %arg4[%get3A_317] {strides = array<i32>} : memref<8072xf32, #tpu.memory_space<vmem>>, vector<16xf32>,
      %get3A_319 = vector.shape_cast %get3A_318 : vector<16xf32> to vector<16xf32>
      %swap3A_320 = arith.index_cast %scan3A_27 : i32 to index
      %swap3A_321 = arith.constant 416 : index
      %swap3A_322 = tpu.vector_load %arg5[%swap3A_320, %swap3A_321] {strides = array<i32>} : memref<16x512xf32, #tpu.memory_space<vmem>>, vector<1x16xf32>,
      %swap3A_323 = vector.shape_cast %swap3A_322 : vector<1x16xf32> to vector<16xf32>
      %swap3A_324 = vector.shape_cast %get3A_319 : vector<16xf32> to vector<1x16xf32>
      tpu.vector_store %arg5[%swap3A_320, %swap3A_321], %swap3A_324 {strides = array<i32>} : memref<16x512xf32, #tpu.memory_space<vmem>>, vector<1x16xf32>,
      %add3A_325 = arith.constant 432 : i32
      %add3A_326 = arith.addi %sub3A_56, %add3A_325 : i32
      %get3A_327 = arith.index_cast %add3A_326 : i32 to index
      %get3A_328 = tpu.vector_load %arg4[%get3A_327] {strides = array<i32>} : memref<8072xf32, #tpu.memory_space<vmem>>, vector<16xf32>,
      %get3A_329 = vector.shape_cast %get3A_328 : vector<16xf32> to vector<16xf32>
      %swap3A_330 = arith.index_cast %scan3A_27 : i32 to index
      %swap3A_331 = arith.constant 432 : index
      %swap3A_332 = tpu.vector_load %arg5[%swap3A_330, %swap3A_331] {strides = array<i32>} : memref<16x512xf32, #tpu.memory_space<vmem>>, vector<1x16xf32>,
      %swap3A_333 = vector.shape_cast %swap3A_332 : vector<1x16xf32> to vector<16xf32>
      %swap3A_334 = vector.shape_cast %get3A_329 : vector<16xf32> to vector<1x16xf32>
      tpu.vector_store %arg5[%swap3A_330, %swap3A_331], %swap3A_334 {strides = array<i32>} : memref<16x512xf32, #tpu.memory_space<vmem>>, vector<1x16xf32>,
      %add3A_335 = arith.constant 448 : i32
      %add3A_336 = arith.addi %sub3A_56, %add3A_335 : i32
      %get3A_337 = arith.index_cast %add3A_336 : i32 to index
      %get3A_338 = tpu.vector_load %arg4[%get3A_337] {strides = array<i32>} : memref<8072xf32, #tpu.memory_space<vmem>>, vector<16xf32>,
      %get3A_339 = vector.shape_cast %get3A_338 : vector<16xf32> to vector<16xf32>
      %swap3A_340 = arith.index_cast %scan3A_27 : i32 to index
      %swap3A_341 = arith.constant 448 : index
      %swap3A_342 = tpu.vector_load %arg5[%swap3A_340, %swap3A_341] {strides = array<i32>} : memref<16x512xf32, #tpu.memory_space<vmem>>, vector<1x16xf32>,
      %swap3A_343 = vector.shape_cast %swap3A_342 : vector<1x16xf32> to vector<16xf32>
      %swap3A_344 = vector.shape_cast %get3A_339 : vector<16xf32> to vector<1x16xf32>
      tpu.vector_store %arg5[%swap3A_340, %swap3A_341], %swap3A_344 {strides = array<i32>} : memref<16x512xf32, #tpu.memory_space<vmem>>, vector<1x16xf32>,
      %add3A_345 = arith.constant 464 : i32
      %add3A_346 = arith.addi %sub3A_56, %add3A_345 : i32
      %get3A_347 = arith.index_cast %add3A_346 : i32 to index
      %get3A_348 = tpu.vector_load %arg4[%get3A_347] {strides = array<i32>} : memref<8072xf32, #tpu.memory_space<vmem>>, vector<16xf32>,
      %get3A_349 = vector.shape_cast %get3A_348 : vector<16xf32> to vector<16xf32>
      %swap3A_350 = arith.index_cast %scan3A_27 : i32 to index
      %swap3A_351 = arith.constant 464 : index
      %swap3A_352 = tpu.vector_load %arg5[%swap3A_350, %swap3A_351] {strides = array<i32>} : memref<16x512xf32, #tpu.memory_space<vmem>>, vector<1x16xf32>,
      %swap3A_353 = vector.shape_cast %swap3A_352 : vector<1x16xf32> to vector<16xf32>
      %swap3A_354 = vector.shape_cast %get3A_349 : vector<16xf32> to vector<1x16xf32>
      tpu.vector_store %arg5[%swap3A_350, %swap3A_351], %swap3A_354 {strides = array<i32>} : memref<16x512xf32, #tpu.memory_space<vmem>>, vector<1x16xf32>,
      %add3A_355 = arith.constant 480 : i32
      %add3A_356 = arith.addi %sub3A_56, %add3A_355 : i32
      %get3A_357 = arith.index_cast %add3A_356 : i32 to index
      %get3A_358 = tpu.vector_load %arg4[%get3A_357] {strides = array<i32>} : memref<8072xf32, #tpu.memory_space<vmem>>, vector<16xf32>,
      %get3A_359 = vector.shape_cast %get3A_358 : vector<16xf32> to vector<16xf32>
      %swap3A_360 = arith.index_cast %scan3A_27 : i32 to index
      %swap3A_361 = arith.constant 480 : index
      %swap3A_362 = tpu.vector_load %arg5[%swap3A_360, %swap3A_361] {strides = array<i32>} : memref<16x512xf32, #tpu.memory_space<vmem>>, vector<1x16xf32>,
      %swap3A_363 = vector.shape_cast %swap3A_362 : vector<1x16xf32> to vector<16xf32>
      %swap3A_364 = vector.shape_cast %get3A_359 : vector<16xf32> to vector<1x16xf32>
      tpu.vector_store %arg5[%swap3A_360, %swap3A_361], %swap3A_364 {strides = array<i32>} : memref<16x512xf32, #tpu.memory_space<vmem>>, vector<1x16xf32>,
      %add3A_365 = arith.constant 496 : i32
      %add3A_366 = arith.addi %sub3A_56, %add3A_365 : i32
      %get3A_367 = arith.index_cast %add3A_366 : i32 to index
      %get3A_368 = tpu.vector_load %arg4[%get3A_367] {strides = array<i32>} : memref<8072xf32, #tpu.memory_space<vmem>>, vector<16xf32>,
      %get3A_369 = vector.shape_cast %get3A_368 : vector<16xf32> to vector<16xf32>
      %swap3A_370 = arith.index_cast %scan3A_27 : i32 to index
      %swap3A_371 = arith.constant 496 : index
      %swap3A_372 = tpu.vector_load %arg5[%swap3A_370, %swap3A_371] {strides = array<i32>} : memref<16x512xf32, #tpu.memory_space<vmem>>, vector<1x16xf32>,
      %swap3A_373 = vector.shape_cast %swap3A_372 : vector<1x16xf32> to vector<16xf32>
      %swap3A_374 = vector.shape_cast %get3A_369 : vector<16xf32> to vector<1x16xf32>
      tpu.vector_store %arg5[%swap3A_370, %swap3A_371], %swap3A_374 {strides = array<i32>} : memref<16x512xf32, #tpu.memory_space<vmem>>, vector<1x16xf32>,
    }
    %scan3A_26 = arith.constant 16 : i32
    "tpu.region"() ({
      %run_scoped3A = tpu.sem_alloc : memref<!tpu.dma_semaphore, #tpu.memory_space<semaphore_mem>>
      %dma_start3A = arith.constant 0 : i32
      %dma_start3A_27 = tpu.memref_slice %arg3[%mul3A_2, %dma_start3A] : memref<512x512xf32, #tpu.memory_space<hbm>> -> memref<16x512xf32, #tpu.memory_space<hbm>>
      %dma_start3A_28 = arith.constant 0 : i32
      %dma_start3A_29 = tpu.memref_slice %arg3[%mul3A_2, %dma_start3A_28] : memref<512x512xf32, #tpu.memory_space<hbm>> -> memref<16x512xf32, #tpu.memory_space<hbm>>
      tpu.enqueue_dma source(%arg5 : memref<16x512xf32, #tpu.memory_space<vmem>>) target(%dma_start3A_29 : memref<16x512xf32, #tpu.memory_space<hbm>>) target_semaphore(%run_scoped3A : memref<!tpu.dma_semaphore, #tpu.memory_space<semaphore_mem>>)
      %dma_wait3A = arith.constant 0 : i32
      %dma_wait3A_30 = tpu.memref_slice %arg3[%mul3A_2, %dma_wait3A] : memref<512x512xf32, #tpu.memory_space<hbm>> -> memref<16x512xf32, #tpu.memory_space<hbm>>
      %dma_wait3A_31 = arith.constant 0 : i32
      %dma_wait3A_32 = tpu.memref_slice %arg3[%mul3A_2, %dma_wait3A_31] : memref<512x512xf32, #tpu.memory_space<hbm>> -> memref<16x512xf32, #tpu.memory_space<hbm>>
      tpu.wait_dma2 semaphore(%run_scoped3A : memref<!tpu.dma_semaphore, #tpu.memory_space<semaphore_mem>>) src(%arg5 : memref<16x512xf32, #tpu.memory_space<vmem>>) dst(%dma_wait3A_32 : memref<16x512xf32, #tpu.memory_space<hbm>>)
      tpu.yield
    }) : () -> ()
    return
  }
}

module attributes {stable_mosaic.version = 14 : i64} {
  func.func @_tc_body(%arg0: memref<512x512xf32, #tpu.memory_space<vmem>>, %arg1: memref<16x16x512xf32, #tpu.memory_space<vmem>>, %arg2: memref<1x512xf32, #tpu.memory_space<vmem>>, %arg3: memref<16x64xf32, #tpu.memory_space<vmem>>, %arg4: memref<1x64xf32, #tpu.memory_space<vmem>>, %arg5: memref<1x1xf32, #tpu.memory_space<vmem>>, %arg6: memref<64x3xf32, #tpu.memory_space<vmem>>, %arg7: memref<1x3xf32, #tpu.memory_space<vmem>>, %arg8: memref<16x3xf32, #tpu.memory_space<vmem>>) attributes {dimension_semantics = [], scalar_prefetch = 0 : i64, scratch_operands = 0 : i64, tpu.core_type = #tpu.core_type<tc>} {
    %get3A = arith.constant 0 : index
    %get3A_0 = arith.constant 0 : index
    %get3A_1 = vector.load %arg2[%get3A, %get3A_0] : memref<1x512xf32, #tpu.memory_space<vmem>>, vector<1x512xf32>
    %squeeze3A = vector.shape_cast %get3A_1 : vector<1x512xf32> to vector<512xf32>
    %iota3A = tpu.iota {dimensions = array<i32: 0>} : vector<512x512xi32>
    %iota3A_2 = tpu.iota {dimensions = array<i32: 1>} : vector<512x512xi32>
    %le3A = arith.cmpi sle, %iota3A_2, %iota3A : vector<512x512xi32>
    %get3A_3 = arith.constant 0 : index
    %get3A_4 = arith.constant 0 : index
    %get3A_5 = vector.load %arg0[%get3A_3, %get3A_4] : memref<512x512xf32, #tpu.memory_space<vmem>>, vector<512x512xf32>
    %jit3A = arith.constant 0.000000e+00 : f32
    %broadcast_in_dim3A = vector.broadcast %jit3A : f32 to vector<512x512xf32>
    %select_n3A = arith.select %le3A, %get3A_5, %broadcast_in_dim3A : vector<512x512xi1>, vector<512x512xf32>
    %eq3A = arith.cmpi eq, %iota3A, %iota3A_2 : vector<512x512xi32>
    %jit3A_6 = arith.constant 0.000000e+00 : f32
    %broadcast_in_dim3A_7 = vector.broadcast %jit3A_6 : f32 to vector<512x512xf32>
    %select_n3A_8 = arith.select %eq3A, %select_n3A, %broadcast_in_dim3A_7 : vector<512x512xi1>, vector<512x512xf32>
    %reduce_sum3A = arith.constant dense<0.000000e+00> : vector<512xf32>
    %reduce_sum3A_9 = vector.multi_reduction <add>, %select_n3A_8, %reduce_sum3A [1] : vector<512x512xf32> to vector<512xf32>
    %abs3A = math.absf %select_n3A : vector<512x512xf32>
    %reduce_sum3A_10 = arith.constant dense<0.000000e+00> : vector<512xf32>
    %reduce_sum3A_11 = vector.multi_reduction <add>, %abs3A, %reduce_sum3A_10 [1] : vector<512x512xf32> to vector<512xf32>
    %reduce_sum3A_12 = arith.constant dense<0.000000e+00> : vector<512xf32>
    %reduce_sum3A_13 = vector.multi_reduction <add>, %abs3A, %reduce_sum3A_12 [0] : vector<512x512xf32> to vector<512xf32>
    %add3A = arith.addf %reduce_sum3A_11, %reduce_sum3A_13 : vector<512xf32>
    %abs3A_14 = math.absf %reduce_sum3A_9 : vector<512xf32>
    %sub3A = arith.subf %add3A, %abs3A_14 : vector<512xf32>
    %add3A_15 = arith.constant 1.000000e+00 : f32
    %add3A_16 = vector.broadcast %add3A_15 : f32 to vector<512xf32>
    %add3A_17 = arith.addf %sub3A, %add3A_16 : vector<512xf32>
    %rsqrt3A = math.rsqrt %add3A_17 : vector<512xf32>
    %mul3A = arith.constant 5.000000e-01 : f32
    %mul3A_18 = vector.broadcast %mul3A : f32 to vector<512xf32>
    %mul3A_19 = arith.mulf %mul3A_18, %add3A_17 : vector<512xf32>
    %mul3A_20 = arith.mulf %mul3A_19, %rsqrt3A : vector<512xf32>
    %mul3A_21 = arith.mulf %mul3A_20, %rsqrt3A : vector<512xf32>
    %sub3A_22 = arith.constant 1.500000e+00 : f32
    %sub3A_23 = vector.broadcast %sub3A_22 : f32 to vector<512xf32>
    %sub3A_24 = arith.subf %sub3A_23, %mul3A_21 : vector<512xf32>
    %mul3A_25 = arith.mulf %rsqrt3A, %sub3A_24 : vector<512xf32>
    %gt3A = arith.constant 0.000000e+00 : f32
    %gt3A_26 = vector.broadcast %gt3A : f32 to vector<512xf32>
    %gt3A_27 = arith.cmpf ogt, %add3A_17, %gt3A_26 : vector<512xf32>
    %jit3A_28 = arith.constant 0.000000e+00 : f32
    %broadcast_in_dim3A_29 = vector.broadcast %jit3A_28 : f32 to vector<512xf32>
    %select_n3A_30 = arith.select %gt3A_27, %mul3A_25, %broadcast_in_dim3A_29 : vector<512xi1>, vector<512xf32>
    %mul3A_31 = arith.mulf %select_n3A_30, %select_n3A_30 : vector<512xf32>
    %mul3A_32 = arith.mulf %select_n3A_30, %squeeze3A : vector<512xf32>
    %broadcast_in_dim3A_33 = vector.shape_cast %mul3A_32 : vector<512xf32> to vector<1x512xf32>
    %mul3A_34 = vector.broadcast %broadcast_in_dim3A_33 : vector<1x512xf32> to vector<512x512xf32>
    %mul3A_35 = arith.mulf %select_n3A, %mul3A_34 : vector<512x512xf32>
    %reduce_sum3A_36 = arith.constant dense<0.000000e+00> : vector<512xf32>
    %reduce_sum3A_37 = vector.multi_reduction <add>, %mul3A_35, %reduce_sum3A_36 [1] : vector<512x512xf32> to vector<512xf32>
    %broadcast_in_dim3A_38 = vector.shape_cast %mul3A_32 : vector<512xf32> to vector<512x1xf32>
    %mul3A_39 = vector.broadcast %broadcast_in_dim3A_38 : vector<512x1xf32> to vector<512x512xf32>
    %mul3A_40 = arith.mulf %select_n3A, %mul3A_39 : vector<512x512xf32>
    %reduce_sum3A_41 = arith.constant dense<0.000000e+00> : vector<512xf32>
    %reduce_sum3A_42 = vector.multi_reduction <add>, %mul3A_40, %reduce_sum3A_41 [0] : vector<512x512xf32> to vector<512xf32>
    %add3A_43 = arith.addf %reduce_sum3A_37, %reduce_sum3A_42 : vector<512xf32>
    %mul3A_44 = arith.mulf %reduce_sum3A_9, %mul3A_32 : vector<512xf32>
    %sub3A_45 = arith.subf %add3A_43, %mul3A_44 : vector<512xf32>
    %mul3A_46 = arith.mulf %select_n3A_30, %sub3A_45 : vector<512xf32>
    %mul3A_47 = arith.mulf %mul3A_31, %squeeze3A : vector<512xf32>
    %add3A_48 = arith.addf %mul3A_46, %mul3A_47 : vector<512xf32>
    %mul3A_49 = arith.mulf %select_n3A_30, %add3A_48 : vector<512xf32>
    %broadcast_in_dim3A_50 = vector.shape_cast %mul3A_49 : vector<512xf32> to vector<1x512xf32>
    %mul3A_51 = vector.broadcast %broadcast_in_dim3A_50 : vector<1x512xf32> to vector<512x512xf32>
    %mul3A_52 = arith.mulf %select_n3A, %mul3A_51 : vector<512x512xf32>
    %reduce_sum3A_53 = arith.constant dense<0.000000e+00> : vector<512xf32>
    %reduce_sum3A_54 = vector.multi_reduction <add>, %mul3A_52, %reduce_sum3A_53 [1] : vector<512x512xf32> to vector<512xf32>
    %broadcast_in_dim3A_55 = vector.shape_cast %mul3A_49 : vector<512xf32> to vector<512x1xf32>
    %mul3A_56 = vector.broadcast %broadcast_in_dim3A_55 : vector<512x1xf32> to vector<512x512xf32>
    %mul3A_57 = arith.mulf %select_n3A, %mul3A_56 : vector<512x512xf32>
    %reduce_sum3A_58 = arith.constant dense<0.000000e+00> : vector<512xf32>
    %reduce_sum3A_59 = vector.multi_reduction <add>, %mul3A_57, %reduce_sum3A_58 [0] : vector<512x512xf32> to vector<512xf32>
    %add3A_60 = arith.addf %reduce_sum3A_54, %reduce_sum3A_59 : vector<512xf32>
    %mul3A_61 = arith.mulf %reduce_sum3A_9, %mul3A_49 : vector<512xf32>
    %sub3A_62 = arith.subf %add3A_60, %mul3A_61 : vector<512xf32>
    %mul3A_63 = arith.mulf %select_n3A_30, %sub3A_62 : vector<512xf32>
    %mul3A_64 = arith.mulf %mul3A_31, %add3A_48 : vector<512xf32>
    %add3A_65 = arith.addf %mul3A_63, %mul3A_64 : vector<512xf32>
    %get3A_66 = arith.constant 0 : index
    %get3A_67 = arith.constant 0 : index
    %get3A_68 = arith.constant 0 : index
    %get3A_69 = vector.load %arg1[%get3A_66, %get3A_67, %get3A_68] : memref<16x16x512xf32, #tpu.memory_space<vmem>>, vector<16x16x512xf32>
    %broadcast_in_dim3A_70 = vector.shape_cast %add3A_65 : vector<512xf32> to vector<1x1x512xf32>
    %mul3A_71 = vector.broadcast %broadcast_in_dim3A_70 : vector<1x1x512xf32> to vector<16x16x512xf32>
    %mul3A_72 = arith.mulf %get3A_69, %mul3A_71 : vector<16x16x512xf32>
    %reduce_sum3A_73 = arith.constant dense<0.000000e+00> : vector<16x16xf32>
    %reduce_sum3A_74 = vector.multi_reduction <add>, %mul3A_72, %reduce_sum3A_73 [2] : vector<16x16x512xf32> to vector<16x16xf32>
    %reduce_sum3A_75 = vector.shape_cast %squeeze3A : vector<512xf32> to vector<1x512xf32>
    %reduce_sum3A_76 = arith.constant dense<0.000000e+00> : vector<1xf32>
    %reduce_sum3A_77 = vector.multi_reduction <add>, %reduce_sum3A_75, %reduce_sum3A_76 [1] : vector<1x512xf32> to vector<1xf32>
    %reduce_sum3A_78 = vector.shape_cast %reduce_sum3A_77 : vector<1xf32> to vector<1x1xf32>
    %reduce_sum3A_79 = vector.extract %reduce_sum3A_78[0, 0] : f32 from vector<1x1xf32>
    %get3A_80 = arith.constant 0 : index
    %get3A_81 = arith.constant 0 : index
    %get3A_82 = vector.load %arg3[%get3A_80, %get3A_81] : memref<16x64xf32, #tpu.memory_space<vmem>>, vector<16x64xf32>
    %dot_general3A = arith.constant dense<0.000000e+00> : vector<16x64xf32>
    %dot_general3A_83 = tpu.matmul %reduce_sum3A_74, %get3A_82, %dot_general3A {dimension_numbers = #tpu.dot_dimension_numbers<[1], [0], [0], [1], [0, 0, 1, 1], [], []>, transpose_lhs_hint = false} : vector<16x16xf32>, vector<16x64xf32>, vector<16x64xf32> -> vector<16x64xf32>
    %get3A_84 = arith.constant 0 : index
    %get3A_85 = arith.constant 0 : index
    %get3A_86 = vector.load %arg4[%get3A_84, %get3A_85] : memref<1x64xf32, #tpu.memory_space<vmem>>, vector<1x64xf32>
    %mul3A_87 = vector.broadcast %reduce_sum3A_79 : f32 to vector<1x64xf32>
    %mul3A_88 = arith.mulf %get3A_86, %mul3A_87 : vector<1x64xf32>
    %add3A_89 = vector.broadcast %mul3A_88 : vector<1x64xf32> to vector<16x64xf32>
    %add3A_90 = arith.addf %dot_general3A_83, %add3A_89 : vector<16x64xf32>
    %get3A_91 = arith.constant 0 : index
    %get3A_92 = arith.constant 0 : index
    %get3A_93 = vector.load %arg5[%get3A_91, %get3A_92] : memref<1x1xf32, #tpu.memory_space<vmem>>, vector<1x1xf32>
    %get3A_94 = vector.extract %get3A_93[0, 0] : f32 from vector<1x1xf32>
    %add3A_95 = vector.broadcast %get3A_94 : f32 to vector<16x64xf32>
    %add3A_96 = arith.addf %add3A_90, %add3A_95 : vector<16x64xf32>
    %max3A = arith.constant 0.000000e+00 : f32
    %max3A_97 = vector.broadcast %max3A : f32 to vector<16x64xf32>
    %max3A_98 = arith.maximumf %add3A_96, %max3A_97 : vector<16x64xf32>
    %get3A_99 = arith.constant 0 : index
    %get3A_100 = arith.constant 0 : index
    %get3A_101 = vector.load %arg6[%get3A_99, %get3A_100] : memref<64x3xf32, #tpu.memory_space<vmem>>, vector<64x3xf32>
    %dot_general3A_102 = arith.constant dense<0.000000e+00> : vector<16x3xf32>
    %dot_general3A_103 = tpu.matmul %max3A_98, %get3A_101, %dot_general3A_102 {dimension_numbers = #tpu.dot_dimension_numbers<[1], [0], [0], [1], [0, 0, 1, 1], [], []>, transpose_lhs_hint = false} : vector<16x64xf32>, vector<64x3xf32>, vector<16x3xf32> -> vector<16x3xf32>
    %get3A_104 = arith.constant 0 : index
    %get3A_105 = arith.constant 0 : index
    %get3A_106 = vector.load %arg7[%get3A_104, %get3A_105] : memref<1x3xf32, #tpu.memory_space<vmem>>, vector<1x3xf32>
    %add3A_107 = vector.broadcast %get3A_106 : vector<1x3xf32> to vector<16x3xf32>
    %add3A_108 = arith.addf %dot_general3A_103, %add3A_107 : vector<16x3xf32>
    %swap3A = arith.constant 0 : index
    %swap3A_109 = arith.constant 0 : index
    %swap3A_110 = vector.load %arg8[%swap3A, %swap3A_109] : memref<16x3xf32, #tpu.memory_space<vmem>>, vector<16x3xf32>
    tpu.vector_store %arg8[%swap3A, %swap3A_109], %add3A_108 {strides = array<i32>} : memref<16x3xf32, #tpu.memory_space<vmem>>, vector<16x3xf32>,
    return
  }
}

</mosaic_0001>

<sc_bundles>
// kernel: kernel.4.cloned.1.call-start
scs
__scs_entry_jumppad:
0x0: {  	(pc) =	sbr.rel $0x88, $3  }
0x1: {  	(tag) =	ssettag $0x0;
	lr =	simm.s32 $0x1  }
0x2: {  	[smem:$0x3F99] =	sst lr;
	_ =	strace $0xD0000000  }
0x3: {  	_ = 	snop  }
0x4: {  	_ = 	snop  }
0x5: {  	_ = 	snop  }
0x6: {  	_ = 	snop  }
0x7: {  	_ = 	snop  }
__scs_overlays_trampoline_lowered:
0x8: {  	[smem:$0x3FA8] =	sst s0  }
0x9: {  	[smem:$0x3FA9] =	sst s1  }
0xa: {  	[smem:$0x3FAA] =	sst s2  }
0xb: {  	[smem:$0x3FAB] =	sst s3  }
0xc: {  	[smem:$0x3FAC] =	sst s4  }
0xd: {  	[smem:$0x3FAD] =	sst s5  }
0xe: {  	[smem:$0x3FAE] =	sst s6  }
0xf: {  	[smem:$0x3FAF] =	sst s7  }
0x10: {  	[smem:$0x3FB0] =	sst s8  }
0x11: {  	[smem:$0x3FB1] =	sst s9;
	s0 =	simm.s32 @!p0 $0x0  }
0x12: {  	s1 =	sld [smem:$0x3F97];
	s0 =	simm.s32 @p0 $0x1  }
0x13: {  	[smem:$0x3FB2] =	sst s0;
	s0 =	simm.s32 @!p1 $0x0  }
0x14: {  	s2 =	sld [smem:$0x3F96];
	s0 =	simm.s32 @p1 $0x1  }
0x15: {  	[smem:$0x3FB3] =	sst s0;
	s0 =	simm.s32 @!p2 $0x0  }
0x16: {  	s3 =	sld [smem:$0x3FDB];
	s0 =	simm.s32 @p2 $0x1  }
0x17: {  	s4 =	simm.s32 $0x1BF5;
	[smem:$0x3FB5] =	sst s0  }
0x18: {  	s0 =	sld [smem:$0x3F98];
	_ =	swait.ge [sflag:s4], $0x0  }
0x19: {  	s7 =	sld [smem:$0x3F99]  }
0x1a: {  	s8 =	sadd.s32 $0xFFFFE003, lr  }
0x1b: {  	s9 =	sadd.s32 $0xFFFFFEF7, lr;
	s5 =	simm.s32 $0xFFFFFFFF;
	p2 =	slt.u32 s8, $0xFFFFF086  }
0x1c: {  	p1 =	slt.u32 s9, $0xF7A;
	s5 =	simm.s32 @!p2 $0x0  }
0x1d: {  	s5 =	simm.s32 @p1 $0x1;
	p0 =	seq.s32 s7, s2  }
0x1e: {  	s7 =	smul.u32 @!p0 $0xF7A, s2;
	p2 =	seq.s32 @!p0 s5, $0x0  }
0x1f: {  	s9 =	smul.u32 $0xF7A, s1;
	s8 =	simm.s32 @!p0 $0x1BF5;
	p2 =	por !p2, p0  }
0x20: {  	[sflag:s8] =	ssyncset.s32 @!p0 $0xFFFFF086;
	s6 =	sadd.s32 @!p0 s3, s7;
	s7 =	simm.s32 @!p0 $0x108  }
0x21: {  	s3 =	sadd.s32 s3, s9;
	s6 =	sadd.s32 @!p0 $0x88, s6;
	s7 =	simm.s32 @p2 $0x1082  }
0x22: {  	[simem:s7], [sflag:s8] =	dma.local @!p0 [hbm:s6], $0xF7A  }
0x23: {  	s9 =	sor.u32 $0xD0000000, s2;
	s6 =	simm.s32 $0x108;
	_ =	swait.ge @!p0 [sflag:s8], $0x0  }
0x24: {  	s3 =	sadd.s32 $0x88, s3;
	s6 =	simm.s32 @!p1 $0x1082;
	[sflag:s4] =	ssyncset.s32 $0xFFFFF086  }
0x25: {  	[simem:s6], [sflag:s4] =	dma.local [hbm:s3], $0xF7A  }
0x26: {  	[smem:$0x3F99] =	sst s1;
	(tag) =	ssettag s2;
	_ =	strace s9  }
0x27: {  	s1 =	sld [smem:$0x3FA9]  }
0x28: {  	s2 =	sld [smem:$0x3FAA]  }
0x29: {  	s4 =	sld [smem:$0x3FAC]  }
0x2a: {  	p0 =	seq.s32 s5, $0x0;
	s5 =	sld [smem:$0x3FAD]  }
0x2b: {  	s6 =	sld [smem:$0x3FAE]  }
0x2c: {  	s7 =	sld [smem:$0x3FAF]  }
0x2d: {  	s3 =	simm.s32 $0x108;
	s8 =	sld [smem:$0x3FB0]  }
0x2e: {  	s3 =	simm.s32 @!p0 $0x1082;
	s9 =	sld [smem:$0x3FB1]  }
0x2f: {  	lr =	sadd.s32 s0, s3;
	s0 =	sld [smem:$0x3FA8]  }
0x30: {  	s3 =	sld [smem:$0x3FAB]  }
0x31: {  	[smem:$0x3FB4] =	sst s10  }
0x32: {  	s10 =	sld [smem:$0x3FB2];
	_ =	sdelay $0x3  }
0x33: {  	p0 =	seq.s32 s10, $0x1;
	s10 =	sld [smem:$0x3FB4];
	_ =	sdelay $0x3  }
0x34: {  	[smem:$0x3FB4] =	sst s10  }
0x35: {  	s10 =	sld [smem:$0x3FB3];
	_ =	sdelay $0x3  }
0x36: {  	p1 =	seq.s32 s10, $0x1;
	s10 =	sld [smem:$0x3FB4];
	_ =	sdelay $0x3  }
0x37: {  	[smem:$0x3FB4] =	sst s10  }
0x38: {  	s10 =	sld [smem:$0x3FB5]  }
0x39: {  	_ = 	snop;
	(pc) =	sbr.ind lr, $3  }
0x3a: {  	_ = 	snop  }
0x3b: {  	_ = 	snop  }
0x3c: {  	p2 =	seq.s32 s10, $0x1;
	s10 =	sld [smem:$0x3FB4]  }
0x3d: {  	_ =	shalt  }
0x3e: {  	_ =	shalt  }
0x3f: {  	_ =	shalt  }
0x40: {  	_ =	shalt  }
0x41: {  	_ =	shalt  }
0x42: {  	_ =	shalt  }
0x43: {  	_ =	shalt  }
0x44: {  	_ =	shalt  }
0x45: {  	_ =	shalt  }
0x46: {  	_ =	shalt  }
0x47: {  	_ =	shalt  }
0x48: {  	_ =	shalt  }
0x49: {  	_ =	shalt  }
0x4a: {  	_ =	shalt  }
0x4b: {  	_ =	shalt  }
0x4c: {  	_ =	shalt  }
0x4d: {  	_ =	shalt  }
0x4e: {  	_ =	shalt  }
0x4f: {  	_ =	shalt  }
0x50: {  	_ =	shalt  }
0x51: {  	_ =	shalt  }
0x52: {  	_ =	shalt  }
0x53: {  	_ =	shalt  }
0x54: {  	_ =	shalt  }
0x55: {  	_ =	shalt  }
0x56: {  	_ =	shalt  }
0x57: {  	_ =	shalt  }
0x58: {  	_ =	shalt  }
0x59: {  	_ =	shalt  }
0x5a: {  	_ =	shalt  }
0x5b: {  	_ =	shalt  }
0x5c: {  	_ =	shalt  }
0x5d: {  	_ =	shalt  }
0x5e: {  	_ =	shalt  }
0x5f: {  	_ =	shalt  }
0x60: {  	_ =	shalt  }
0x61: {  	_ =	shalt  }
0x62: {  	_ =	shalt  }
0x63: {  	_ =	shalt  }
0x64: {  	_ =	shalt  }
0x65: {  	_ =	shalt  }
0x66: {  	_ =	shalt  }
0x67: {  	_ =	shalt  }
0x68: {  	_ =	shalt  }
0x69: {  	_ =	shalt  }
0x6a: {  	_ =	shalt  }
0x6b: {  	_ =	shalt  }
0x6c: {  	_ =	shalt  }
0x6d: {  	_ =	shalt  }
0x6e: {  	_ =	shalt  }
0x6f: {  	_ =	shalt  }
0x70: {  	_ =	shalt  }
0x71: {  	_ =	shalt  }
0x72: {  	_ =	shalt  }
0x73: {  	_ =	shalt  }
0x74: {  	_ =	shalt  }
0x75: {  	_ =	shalt  }
0x76: {  	_ =	shalt  }
0x77: {  	_ =	shalt  }
0x78: {  	_ =	shalt  }
0x79: {  	_ =	shalt  }
0x7a: {  	_ =	shalt  }
0x7b: {  	_ =	shalt  }
0x7c: {  	_ =	shalt  }
0x7d: {  	_ =	shalt  }
0x7e: {  	_ =	shalt  }
0x7f: {  	_ =	shalt  }
0x80: {  	_ =	shalt  }
0x81: {  	_ =	shalt  }
0x82: {  	_ =	shalt  }
0x83: {  	_ =	shalt  }
0x84: {  	_ =	shalt  }
0x85: {  	_ =	shalt  }
0x86: {  	_ =	shalt  }
0x87: {  	_ =	shalt  }
.Lfunc_end0:
.L_simem_size_0:
called_computation_lowered:
.L_overlay_start_0:
0x88: {  	s2 =	sld [smem:$0x3FD9]  }
0x89: {  	s3 =	sld [smem:$0x3FFE];
	_ =	sdelay $0x1  }
0x8a: {  	s1 =	srdreg.scid  }
0x8b: {  	s0 =	sand.u32 $0x1, s1  }
0x8c: {  	s17 =	sshll.u32 s0, $0xA;
	s2 =	sadd.s32 s3, s2  }
0x8d: {  	s2 =	sadd.s32 s2, s17  }
0x8e: {  	[smem:$0x3FC0] =	sst s2  }
0x8f: {  	_ = 	snop  }
0x90: {  	s2 =	sld [smem:$0x3FC8];
	(tm) =	ssettm $0x1  }
0x91: {  	s18 =	sld [smem:$0x3FFB];
	_ =	sdelay $0x3  }
0x92: {  	_ =	strace s18  }
0x93: {  	s3 =	sld [smem:$0x3FFC];
	_ =	sdelay $0x3  }
0x94: {  	_ =	strace s3  }
0x95: {  	s3 =	sld [smem:$0x3FFD];
	_ =	sdelay $0x3  }
0x96: {  	_ =	strace s3  }
0x97: {  	_ =	strace $0x8FFFFFFF  }
0x98: {  	s19 =	sld [smem:$0x3FDB];
	_ =	sdelay $0x1  }
0x99: {  	s4 =	simm.s32 $_scs_section_size  }
0x9a: {  	s5 =	simm.s32 $_size__tile_overlayer_lowered;
	s6 =	simm.s32 $_tile_overlayer_lowered  }
0x9b: {  	s22 =	simm.s32 $0x1BFF;
	s21 =	sshll.u32 s6, $0x1;
	s3 =	sadd.s32 s4, s19  }
0x9c: {  	s7 =	simm.s32 $0x0;
	s20 =	sshll.u32 s5, $0x1;
	s5 =	sadd.s32 s21, s3  }
0x9d: {  	[timem:s7], [sflag:s22] =	dma.local [hbm:s5], s20  }
0x9e: {  	_ =	swait.ge [sflag:s22], s20  }
0x9f: {  	s4 =	ssub.s32 $0x0, s20;
	[sflag:s22] =	ssyncset.done $0x0  }
0xa0: {  	[sflag:s22] =	ssyncadd.s32 s4;
	_ =	sdelay $0x1  }
0xa1: {  	s23 =	simm.s32 $0x1B8B  }
0xa2: {  	_ =	swait.ge [sflag:s23], $0x1  }
0xa3: {  	[sflag:s23] =	ssyncset.done $0x0  }
0xa4: {  	s25 =	simm.s32 $0x1B8E;
	s24 =	sld [smem:$0x3FFE];
	[sflag:s23] =	ssyncadd.s32 $0xFFFFFFFF  }
0xa5: {  	s26 =	simm.s32 $execute0_lowered;
	[smem:$0x3FD2] =	sst s25  }
0xa6: {  	s5 =	sshll.u32 s26, $0x1;
	_ =	strace $0x80000046;
	[dreg:$0x1] =	wrdreg $0xFFFFFFFF  }
0xa7: {  	s28 =	simm.s32 $_size_execute0_lowered;
	s3 =	sadd.s32 s3, s5;
	[dreg:$0x0] =	wrdreg $0x0  }
0xa8: {  	s5 =	sshll.u32 s28, $0x1;
	[dreg:$0x2] =	wrdreg s3  }
0xa9: {  	[dreg:$0x3] =	wrdreg s5  }
0xaa: {  	[dreg:$0x4] =	wrdreg $0xC0  }
0xab: {  	_ =	task [dreg:s7], $0x5FFFF  }
0xac: {  	[dreg:$0x1] =	wrdreg $0xFFFFFFFF  }
0xad: {  	[dreg:$0x0] =	wrdreg $0x60  }
0xae: {  	[dreg:$0x2] =	wrdreg s2  }
0xaf: {  	[dreg:$0x3] =	wrdreg s24  }
0xb0: {  	[dreg:$0x4] =	wrdreg $0x9  }
0xb1: {  	_ =	task.clear_ibuf [dreg:s7], $0x5FFFF;
	_ =	strace $0x90000046  }
0xb2: {  	s29 =	simm.s32 $0x9;
	_ =	strace $0x80000048  }
0xb3: {  	_ =	swait.ge [sflag:s29], $0x1  }
0xb4: {  	[sflag:s29] =	ssyncadd.s32 $0xFFFFFFFF  }
0xb5: {  	_ =	strace $0x90000048  }
0xb6: {  	_ =	sfence  }
0xb7: {  	s30 =	sld [smem:$0x0];
	_ =	sdelay $0x2  }
0xb8: {  	s31 =	sshll.u32 s1, $0xD;
	s1 =	sshrl.u32 s1, $0x2  }
0xb9: {  	s3 =	sand.u32 $0x4000, s31;
	s1 =	sadd.s32 s1, s30  }
0xba: {  	s0 =	sor.u32 s3, s0;
	s1 =	sshll.u32 s1, $0x11  }
0xbb: {  	s0 =	sor.u32 s1, s0  }
0xbc: {  	s0 =	sadd.s32 $0x8F2B, s0  }
0xbd: {  	[sflag:s0] =	ssyncadd.remote.s32 $0x1  }
0xbe: {  	_ =	sfence.sel $0xFFFF  }
0xbf: {  	[dreg:$0x0] =	wrdreg $0xFFFFFFFF;
	(pc) =	sbr.abs _section_cstart, $3  }
0xc0: {  	[dreg:$0x1] =	wrdreg $0xFFFFFFFF  }
0xc1: {  	_ =	task.clear_ibuf [dreg:s7], $0x2FFFF;
	_ =	strace $0x9FFFFFFF  }
0xc2: {  	(tm) =	ssettm $0x7FFFFFFF  }
0xc3: {  	_ =	shalt  }
tec
execute0_lowered:
.L_overlay_start_1:
0x0: {  	(tag) =	ssettag $0x1  }
0x1: {  	s1 =	srdreg.scid  }
0x2: {  	s5 =	rddreg [dreg:$0x0];
	s0 =	stileid.u32  }
0x3: {  	s6 =	rddreg [dreg:$0x1];
	s2 =	simm.s32 $0x0;
	s4 =	sand.u32 $0x1, s1  }
0x4: {  	s9 =	simm.s32 $0x2000;
	s7 =	sshll.u32 s0, $0x4;
	s3 =	sshll.u32 s4, $0x8  }
0x5: {  	s10 =	simm.s32 $0x0;
	s1 =	rddreg [dreg:$0x2];
	s7 =	sor.u32 s7, s3  }
0x6: {  	[smem:$0x7FF] =	sst s2;
	s4 =	ssub.s32 $0x2, s4;
	s3 =	sor.u32 $0x1, s7  }
0x7: {  	s31 =	sshrl.u32 s4, $0x1;
	s8 =	sshll.u32 s7, $0x6;
	s7 =	smul.u32 s7, s3  }
0x8: {  	_ =	strace $0x80000047;
	s6 =	sadd.s32 s8, s6;
	s8 =	ssub.s32 s4, s31  }
0x9: {  	s6 =	sadd.s32 $0x1200, s6;
	s4 =	sshrl.u32 s7, $0x1;
	s7 =	sshrl.u32 s7, $0x4  }
0xa: {  	s5 =	sadd.s32 s5, s7;
	s7 =	smax.u32 s8, $0x1;
	s8 =	simm.s32 $0x1  }
.LBB2_1:
0xb: {  	[tilespmem:s2], [sflag:$0x1] =	stream.linear.gather [hbm4b:s5+s2], $0x1F88, $0x38;
	[tilespmem:$0x4000] =	vst v63  }
0xc: {  	s11 =	sadd.s32 $0xFFFFFFFF, s3  }
0xd: {  	s11 =	smul.u32 s11, s3  }
0xe: {  	_ =	swait.ge [sflag:s8], $0x1F88  }
0xf: {  	[sflag:s8] =	ssyncset.done $0x0;
	s11 =	sshrl.u32 s11, $0x1  }
0x10: {  	[sflag:s8] =	ssyncadd.s32 $0xFFFFE078;
	s13 =	ssub.s32 s11, s4  }
0x11: {  	v0 =	vld [tilespmem:s13+$0x0];
	_ =	sdelay $0x2  }
0x12: {  	s31 =	sand.u32 $0x1000, s2;
	s12 =	sand.u32 $0x380, s2  }
0x13: {  	s11 =	sor.u32 s12, s31  }
0x14: {  	[tilespmem:s11+$0x2000] =	vst v0  }
0x15: {  	v0 =	vld [tilespmem:s13+$0x10];
	_ =	sdelay $0x4  }
0x16: {  	[tilespmem:s11+$0x2010] =	vst v0  }
0x17: {  	v0 =	vld [tilespmem:s13+$0x20];
	_ =	sdelay $0x4  }
0x18: {  	[tilespmem:s11+$0x2020] =	vst v0  }
0x19: {  	v0 =	vld [tilespmem:s13+$0x30];
	_ =	sdelay $0x4  }
0x1a: {  	[tilespmem:s11+$0x2030] =	vst v0  }
0x1b: {  	v0 =	vld [tilespmem:s13+$0x40];
	_ =	sdelay $0x4  }
0x1c: {  	[tilespmem:s11+$0x2040] =	vst v0  }
0x1d: {  	v0 =	vld [tilespmem:s13+$0x50];
	_ =	sdelay $0x4  }
0x1e: {  	[tilespmem:s11+$0x2050] =	vst v0  }
0x1f: {  	v0 =	vld [tilespmem:s13+$0x60];
	_ =	sdelay $0x4  }
0x20: {  	[tilespmem:s11+$0x2060] =	vst v0  }
0x21: {  	v0 =	vld [tilespmem:s13+$0x70];
	_ =	sdelay $0x4  }
0x22: {  	[tilespmem:s11+$0x2070] =	vst v0  }
0x23: {  	v0 =	vld [tilespmem:s13+$0x80];
	_ =	sdelay $0x4  }
0x24: {  	[tilespmem:s11+$0x2400] =	vst v0  }
0x25: {  	v0 =	vld [tilespmem:s13+$0x90];
	_ =	sdelay $0x4  }
0x26: {  	[tilespmem:s11+$0x2410] =	vst v0  }
0x27: {  	v0 =	vld [tilespmem:s13+$0xA0];
	_ =	sdelay $0x4  }
0x28: {  	[tilespmem:s11+$0x2420] =	vst v0  }
0x29: {  	v0 =	vld [tilespmem:s13+$0xB0];
	_ =	sdelay $0x4  }
0x2a: {  	[tilespmem:s11+$0x2430] =	vst v0  }
0x2b: {  	v0 =	vld [tilespmem:s13+$0xC0];
	_ =	sdelay $0x4  }
0x2c: {  	[tilespmem:s11+$0x2440] =	vst v0  }
0x2d: {  	v0 =	vld [tilespmem:s13+$0xD0];
	_ =	sdelay $0x4  }
0x2e: {  	[tilespmem:s11+$0x2450] =	vst v0  }
0x2f: {  	v0 =	vld [tilespmem:s13+$0xE0];
	_ =	sdelay $0x4  }
0x30: {  	[tilespmem:s11+$0x2460] =	vst v0  }
0x31: {  	v0 =	vld [tilespmem:s13+$0xF0];
	_ =	sdelay $0x4  }
0x32: {  	[tilespmem:s11+$0x2470] =	vst v0  }
0x33: {  	v0 =	vld [tilespmem:s13+$0x100];
	_ =	sdelay $0x4  }
0x34: {  	[tilespmem:s11+$0x2800] =	vst v0  }
0x35: {  	v0 =	vld [tilespmem:s13+$0x110];
	_ =	sdelay $0x4  }
0x36: {  	[tilespmem:s11+$0x2810] =	vst v0  }
0x37: {  	v0 =	vld [tilespmem:s13+$0x120];
	_ =	sdelay $0x4  }
0x38: {  	[tilespmem:s11+$0x2820] =	vst v0  }
0x39: {  	v0 =	vld [tilespmem:s13+$0x130];
	_ =	sdelay $0x4  }
0x3a: {  	[tilespmem:s11+$0x2830] =	vst v0  }
0x3b: {  	v0 =	vld [tilespmem:s13+$0x140];
	_ =	sdelay $0x4  }
0x3c: {  	[tilespmem:s11+$0x2840] =	vst v0  }
0x3d: {  	v0 =	vld [tilespmem:s13+$0x150];
	_ =	sdelay $0x4  }
0x3e: {  	[tilespmem:s11+$0x2850] =	vst v0  }
0x3f: {  	v0 =	vld [tilespmem:s13+$0x160];
	_ =	sdelay $0x4  }
0x40: {  	[tilespmem:s11+$0x2860] =	vst v0  }
0x41: {  	v0 =	vld [tilespmem:s13+$0x170];
	_ =	sdelay $0x4  }
0x42: {  	[tilespmem:s11+$0x2870] =	vst v0  }
0x43: {  	v0 =	vld [tilespmem:s13+$0x180];
	_ =	sdelay $0x4  }
0x44: {  	[tilespmem:s11+$0x2C00] =	vst v0  }
0x45: {  	v0 =	vld [tilespmem:s13+$0x190];
	_ =	sdelay $0x4  }
0x46: {  	[tilespmem:s11+$0x2C10] =	vst v0  }
0x47: {  	v0 =	vld [tilespmem:s13+$0x1A0];
	_ =	sdelay $0x4  }
0x48: {  	[tilespmem:s11+$0x2C20] =	vst v0  }
0x49: {  	v0 =	vld [tilespmem:s13+$0x1B0];
	_ =	sdelay $0x4  }
0x4a: {  	[tilespmem:s11+$0x2C30] =	vst v0  }
0x4b: {  	v0 =	vld [tilespmem:s13+$0x1C0];
	_ =	sdelay $0x4  }
0x4c: {  	[tilespmem:s11+$0x2C40] =	vst v0  }
0x4d: {  	v0 =	vld [tilespmem:s13+$0x1D0];
	_ =	sdelay $0x4  }
0x4e: {  	[tilespmem:s11+$0x2C50] =	vst v0  }
0x4f: {  	v0 =	vld [tilespmem:s13+$0x1E0];
	_ =	sdelay $0x4  }
0x50: {  	[tilespmem:s11+$0x2C60] =	vst v0  }
0x51: {  	s14 =	sadd.s32 $0x1, s3;
	s15 =	simm.s32 $0x400;
	v0 =	vld [tilespmem:s13+$0x1F0]  }
0x52: {  	s16 =	sadd.s32 $0xFFFFFFFF, s14;
	s12 =	simm.s32 $0x200;
	s13 =	simm.s32 $0x0  }
.LBB2_2:
0x53: {  	p0 =	sne.s32 s15, $0x1E00;
	s16 =	smul.u32 s16, s14;
	_ =	sdelay $0x1  }
0x54: {  	s16 =	sshrl.u32 s16, $0x1  }
0x55: {  	s16 =	ssub.s32 s16, s4;
	[tilespmem:s11+$0x2C70] =	vst v0  }
0x56: {  	v0 =	vld [tilespmem:s16+$0x0];
	_ =	sdelay $0x1  }
0x57: {  	s13 =	sadd.s32 $0x80, s13  }
0x58: {  	s17 =	sand.u32 $0x380, s13;
	s11 =	sand.u32 $0x1000, s12;
	s12 =	smov.u32 s15  }
0x59: {  	s11 =	sor.u32 s17, s11  }
0x5a: {  	[tilespmem:s11+$0x2000] =	vst v0  }
0x5b: {  	v0 =	vld [tilespmem:s16+$0x10];
	_ =	sdelay $0x4  }
0x5c: {  	[tilespmem:s11+$0x2010] =	vst v0  }
0x5d: {  	v0 =	vld [tilespmem:s16+$0x20];
	_ =	sdelay $0x4  }
0x5e: {  	[tilespmem:s11+$0x2020] =	vst v0  }
0x5f: {  	v0 =	vld [tilespmem:s16+$0x30];
	_ =	sdelay $0x4  }
0x60: {  	[tilespmem:s11+$0x2030] =	vst v0  }
0x61: {  	v0 =	vld [tilespmem:s16+$0x40];
	_ =	sdelay $0x4  }
0x62: {  	[tilespmem:s11+$0x2040] =	vst v0  }
0x63: {  	v0 =	vld [tilespmem:s16+$0x50];
	_ =	sdelay $0x4  }
0x64: {  	[tilespmem:s11+$0x2050] =	vst v0  }
0x65: {  	v0 =	vld [tilespmem:s16+$0x60];
	_ =	sdelay $0x4  }
0x66: {  	[tilespmem:s11+$0x2060] =	vst v0  }
0x67: {  	v0 =	vld [tilespmem:s16+$0x70];
	_ =	sdelay $0x4  }
0x68: {  	[tilespmem:s11+$0x2070] =	vst v0  }
0x69: {  	v0 =	vld [tilespmem:s16+$0x80];
	_ =	sdelay $0x4  }
0x6a: {  	[tilespmem:s11+$0x2400] =	vst v0  }
0x6b: {  	v0 =	vld [tilespmem:s16+$0x90];
	_ =	sdelay $0x4  }
0x6c: {  	[tilespmem:s11+$0x2410] =	vst v0  }
0x6d: {  	v0 =	vld [tilespmem:s16+$0xA0];
	_ =	sdelay $0x4  }
0x6e: {  	[tilespmem:s11+$0x2420] =	vst v0  }
0x6f: {  	v0 =	vld [tilespmem:s16+$0xB0];
	_ =	sdelay $0x4  }
0x70: {  	[tilespmem:s11+$0x2430] =	vst v0  }
0x71: {  	v0 =	vld [tilespmem:s16+$0xC0];
	_ =	sdelay $0x4  }
0x72: {  	[tilespmem:s11+$0x2440] =	vst v0  }
0x73: {  	v0 =	vld [tilespmem:s16+$0xD0];
	_ =	sdelay $0x4  }
0x74: {  	[tilespmem:s11+$0x2450] =	vst v0  }
0x75: {  	v0 =	vld [tilespmem:s16+$0xE0];
	_ =	sdelay $0x4  }
0x76: {  	[tilespmem:s11+$0x2460] =	vst v0  }
0x77: {  	v0 =	vld [tilespmem:s16+$0xF0];
	_ =	sdelay $0x4  }
0x78: {  	[tilespmem:s11+$0x2470] =	vst v0  }
0x79: {  	v0 =	vld [tilespmem:s16+$0x100];
	_ =	sdelay $0x4  }
0x7a: {  	[tilespmem:s11+$0x2800] =	vst v0  }
0x7b: {  	v0 =	vld [tilespmem:s16+$0x110];
	_ =	sdelay $0x4  }
0x7c: {  	[tilespmem:s11+$0x2810] =	vst v0  }
0x7d: {  	v0 =	vld [tilespmem:s16+$0x120];
	_ =	sdelay $0x4  }
0x7e: {  	[tilespmem:s11+$0x2820] =	vst v0  }
0x7f: {  	v0 =	vld [tilespmem:s16+$0x130];
	_ =	sdelay $0x4  }
0x80: {  	[tilespmem:s11+$0x2830] =	vst v0  }
0x81: {  	v0 =	vld [tilespmem:s16+$0x140];
	_ =	sdelay $0x4  }
0x82: {  	[tilespmem:s11+$0x2840] =	vst v0  }
0x83: {  	v0 =	vld [tilespmem:s16+$0x150];
	_ =	sdelay $0x4  }
0x84: {  	[tilespmem:s11+$0x2850] =	vst v0  }
0x85: {  	v0 =	vld [tilespmem:s16+$0x160];
	_ =	sdelay $0x4  }
0x86: {  	[tilespmem:s11+$0x2860] =	vst v0  }
0x87: {  	v0 =	vld [tilespmem:s16+$0x170];
	_ =	sdelay $0x4  }
0x88: {  	[tilespmem:s11+$0x2870] =	vst v0  }
0x89: {  	v0 =	vld [tilespmem:s16+$0x180];
	_ =	sdelay $0x4  }
0x8a: {  	[tilespmem:s11+$0x2C00] =	vst v0  }
0x8b: {  	v0 =	vld [tilespmem:s16+$0x190];
	_ =	sdelay $0x4  }
0x8c: {  	[tilespmem:s11+$0x2C10] =	vst v0  }
0x8d: {  	v0 =	vld [tilespmem:s16+$0x1A0];
	_ =	sdelay $0x4  }
0x8e: {  	[tilespmem:s11+$0x2C20] =	vst v0  }
0x8f: {  	v0 =	vld [tilespmem:s16+$0x1B0];
	_ =	sdelay $0x4  }
0x90: {  	[tilespmem:s11+$0x2C30] =	vst v0  }
0x91: {  	v0 =	vld [tilespmem:s16+$0x1C0];
	_ =	sdelay $0x4  }
0x92: {  	[tilespmem:s11+$0x2C40] =	vst v0  }
0x93: {  	v0 =	vld [tilespmem:s16+$0x1D0];
	_ =	sdelay $0x4  }
0x94: {  	[tilespmem:s11+$0x2C50] =	vst v0  }
0x95: {  	v0 =	vld [tilespmem:s16+$0x1E0];
	_ =	sdelay $0x2  }
.Ltmp0:
0x96: {  	(pc) =	sbr.rel @p0 .LBB2_2-.Ltmp0, $4  }
0x97: {  	_ = 	snop  }
0x98: {  	[tilespmem:s11+$0x2C60] =	vst v0  }
0x99: {  	s14 =	sadd.s32 $0x1, s14;
	v0 =	vld [tilespmem:s16+$0x1F0]  }
0x9a: {  	s15 =	sadd.s32 $0x200, s15;
	s16 =	sadd.s32 $0xFFFFFFFF, s14  }
0x9b: {  	s14 =	smul.u32 s16, s14;
	_ =	sdelay $0x1  }
0x9c: {  	s14 =	sshrl.u32 s14, $0x1  }
0x9d: {  	s14 =	ssub.s32 s14, s4;
	[tilespmem:s11+$0x2C70] =	vst v0  }
0x9e: {  	v0 =	vld [tilespmem:s14+$0x0];
	_ =	sdelay $0x1  }
0x9f: {  	s31 =	sadd.s32 $0x80, s13  }
0xa0: {  	s12 =	sand.u32 $0x1000, s12;
	s11 =	sand.u32 $0x380, s31  }
0xa1: {  	s11 =	sor.u32 s11, s12  }
0xa2: {  	[tilespmem:s11+$0x2000] =	vst v0  }
0xa3: {  	v0 =	vld [tilespmem:s14+$0x10];
	_ =	sdelay $0x4  }
0xa4: {  	[tilespmem:s11+$0x2010] =	vst v0  }
0xa5: {  	v0 =	vld [tilespmem:s14+$0x20];
	_ =	sdelay $0x4  }
0xa6: {  	[tilespmem:s11+$0x2020] =	vst v0  }
0xa7: {  	v0 =	vld [tilespmem:s14+$0x30];
	_ =	sdelay $0x4  }
0xa8: {  	[tilespmem:s11+$0x2030] =	vst v0  }
0xa9: {  	v0 =	vld [tilespmem:s14+$0x40];
	_ =	sdelay $0x4  }
0xaa: {  	[tilespmem:s11+$0x2040] =	vst v0  }
0xab: {  	v0 =	vld [tilespmem:s14+$0x50];
	_ =	sdelay $0x4  }
0xac: {  	[tilespmem:s11+$0x2050] =	vst v0  }
0xad: {  	v0 =	vld [tilespmem:s14+$0x60];
	_ =	sdelay $0x4  }
0xae: {  	[tilespmem:s11+$0x2060] =	vst v0  }
0xaf: {  	v0 =	vld [tilespmem:s14+$0x70];
	_ =	sdelay $0x4  }
0xb0: {  	[tilespmem:s11+$0x2070] =	vst v0  }
0xb1: {  	v0 =	vld [tilespmem:s14+$0x80];
	_ =	sdelay $0x4  }
0xb2: {  	[tilespmem:s11+$0x2400] =	vst v0  }
0xb3: {  	v0 =	vld [tilespmem:s14+$0x90];
	_ =	sdelay $0x4  }
0xb4: {  	[tilespmem:s11+$0x2410] =	vst v0  }
0xb5: {  	v0 =	vld [tilespmem:s14+$0xA0];
	_ =	sdelay $0x4  }
0xb6: {  	[tilespmem:s11+$0x2420] =	vst v0  }
0xb7: {  	v0 =	vld [tilespmem:s14+$0xB0];
	_ =	sdelay $0x4  }
0xb8: {  	[tilespmem:s11+$0x2430] =	vst v0  }
0xb9: {  	v0 =	vld [tilespmem:s14+$0xC0];
	_ =	sdelay $0x4  }
0xba: {  	[tilespmem:s11+$0x2440] =	vst v0  }
0xbb: {  	v0 =	vld [tilespmem:s14+$0xD0];
	_ =	sdelay $0x4  }
0xbc: {  	[tilespmem:s11+$0x2450] =	vst v0  }
0xbd: {  	v0 =	vld [tilespmem:s14+$0xE0];
	_ =	sdelay $0x4  }
0xbe: {  	[tilespmem:s11+$0x2460] =	vst v0  }
0xbf: {  	v0 =	vld [tilespmem:s14+$0xF0];
	_ =	sdelay $0x4  }
0xc0: {  	[tilespmem:s11+$0x2470] =	vst v0  }
0xc1: {  	v0 =	vld [tilespmem:s14+$0x100];
	_ =	sdelay $0x4  }
0xc2: {  	[tilespmem:s11+$0x2800] =	vst v0  }
0xc3: {  	v0 =	vld [tilespmem:s14+$0x110];
	_ =	sdelay $0x4  }
0xc4: {  	[tilespmem:s11+$0x2810] =	vst v0  }
0xc5: {  	v0 =	vld [tilespmem:s14+$0x120];
	_ =	sdelay $0x4  }
0xc6: {  	[tilespmem:s11+$0x2820] =	vst v0  }
0xc7: {  	v0 =	vld [tilespmem:s14+$0x130];
	_ =	sdelay $0x4  }
0xc8: {  	[tilespmem:s11+$0x2830] =	vst v0  }
0xc9: {  	v0 =	vld [tilespmem:s14+$0x140];
	_ =	sdelay $0x4  }
0xca: {  	[tilespmem:s11+$0x2840] =	vst v0  }
0xcb: {  	v0 =	vld [tilespmem:s14+$0x150];
	_ =	sdelay $0x4  }
0xcc: {  	[tilespmem:s11+$0x2850] =	vst v0  }
0xcd: {  	v0 =	vld [tilespmem:s14+$0x160];
	_ =	sdelay $0x4  }
0xce: {  	[tilespmem:s11+$0x2860] =	vst v0  }
0xcf: {  	v0 =	vld [tilespmem:s14+$0x170];
	_ =	sdelay $0x4  }
0xd0: {  	[tilespmem:s11+$0x2870] =	vst v0  }
0xd1: {  	v0 =	vld [tilespmem:s14+$0x180];
	_ =	sdelay $0x4  }
0xd2: {  	[tilespmem:s11+$0x2C00] =	vst v0  }
0xd3: {  	v0 =	vld [tilespmem:s14+$0x190];
	_ =	sdelay $0x4  }
0xd4: {  	[tilespmem:s11+$0x2C10] =	vst v0  }
0xd5: {  	v0 =	vld [tilespmem:s14+$0x1A0];
	_ =	sdelay $0x4  }
0xd6: {  	[tilespmem:s11+$0x2C20] =	vst v0  }
0xd7: {  	v0 =	vld [tilespmem:s14+$0x1B0];
	_ =	sdelay $0x4  }
0xd8: {  	[tilespmem:s11+$0x2C30] =	vst v0  }
0xd9: {  	v0 =	vld [tilespmem:s14+$0x1C0];
	_ =	sdelay $0x4  }
0xda: {  	[tilespmem:s11+$0x2C40] =	vst v0  }
0xdb: {  	v0 =	vld [tilespmem:s14+$0x1D0];
	_ =	sdelay $0x4  }
0xdc: {  	[tilespmem:s11+$0x2C50] =	vst v0  }
0xdd: {  	v0 =	vld [tilespmem:s14+$0x1E0];
	_ =	sdelay $0x4  }
0xde: {  	[tilespmem:s11+$0x2C60] =	vst v0  }
0xdf: {  	v0 =	vld [tilespmem:s14+$0x1F0];
	_ =	sdelay $0x2  }
0xe0: {  	s10 =	sadd.s32 $0x1, s10  }
0xe1: {  	p0 =	sne.s32 s10, s7  }
.Ltmp1:
0xe2: {  	[tilespmem:s11+$0x2C70] =	vst v0;
	(pc) =	sbr.rel @p0 .LBB2_1-.Ltmp1, $4  }
0xe3: {  	[hbm4b:s6+s2] =	stream.linear.scatter [tilespmem:s9], [sflag:$0x1], $0x2000, $0x38;
	[tilespmem:$0x4000] =	vst v63  }
0xe4: {  	_ =	swait.ge [sflag:s8], $0x2000  }
0xe5: {  	[sflag:s8] =	ssyncset.done $0x0  }
0xe6: {  	[sflag:s8] =	ssyncadd.s32 $0xFFFFE000  }
0xe7: {  	_ =	sfence.sel $0x180000  }
0xe8: {  	[bflag:$0x0] =	sbarrier.arrive $0xFFFF  }
0xe9: {  	p0 =	sne.s32 s0, $0x0;
	_ =	strace $0x90000047  }
0xea: {  	s0 =	sadd.s32 @!p0 $0x100000, s1;
	[bflag:$0x2] =	sbarrier.arrive $0xFFFF  }
0xeb: {  	[sflag:s0] =	ssyncadd.tile.s32 @!p0 $0x1;
	_ =	shalt  }
.Lfunc_end2:
_tile_overlayer_lowered:
.L_overlay_start_2:
0xec: {  	(tag) =	ssettag $0x2  }
0xed: {  	s0 =	rddreg [dreg:$0x0];
	s2 =	stileid.u32  }
0xee: {  	s1 =	rddreg [dreg:$0x1];
	p0 =	sne.s32 s2, $0x0  }
0xef: {  	s3 =	rddreg [dreg:$0x2];
	[bflag:$0x3] =	sbarrier.arrive $0xFFFF;
	s2 =	simm.s32 @!p0 $0x1C01  }
0xf0: {  	[timem:s3], [sflag:s2] =	dma.local @!p0 [hbm:s0], s1  }
0xf1: {  	s0 =	simm.s32 @!p0 $0x1  }
0xf2: {  	_ =	swait.ge @!p0 [sflag:s0], s1  }
0xf3: {  	s1 =	ssub.s32 @!p0 $0x0, s1;
	[sflag:s0] =	ssyncset.done @!p0 $0x0  }
0xf4: {  	[sflag:s0] =	ssyncadd.s32 @!p0 s1  }
0xf5: {  	[bflag:$0x3] =	sbarrier.arrive $0xFFFF  }
0xf6: {  	_ =	shalt  }

</sc_bundles>
